<compile_context>
chip_gen: v7x
topology: tpu7x:2x2x1
jax: 0.10.2.dev20260603
libtpu: 0.0.44.dev20260713+nightly
codegen_flags: <defaults>
</compile_context>

<pallas_src>
import functools

import jax
import jax.numpy as jnp
from jax import lax
from jax.experimental import pallas as pl
from jax.experimental.pallas import tpu as pltpu
from jax.experimental.pallas import tpu_sc as plsc

VOCAB = 5
EMBED_DIM = 256
MAX_LEN = 512
EPS = 1e-5

BATCH_BLK = 32


def _combine_kernel(tok_ref, pos_ref, gamma_ref, beta_ref, out_ref):
    emb = tok_ref[...][:, None, :] + pos_ref[...][None, :, :]
    mean = jnp.mean(emb, axis=-1, keepdims=True)
    var = jnp.mean(jnp.square(emb - mean), axis=-1, keepdims=True)
    normed = (emb - mean) * jax.lax.rsqrt(var + EPS)
    out_ref[...] = normed * gamma_ref[...][None, None, :] + beta_ref[...][None, None, :]


def _expand_kernel(x_ref, comb_ref, out_ref):
    xb = x_ref[...]
    c = comb_ref[...]
    sel = xb[:, :, None]
    r = jnp.where(sel == 0, c[0][None], c[4][None])
    r = jnp.where(sel == 1, c[1][None], r)
    r = jnp.where(sel == 2, c[2][None], r)
    r = jnp.where(sel == 3, c[3][None], r)
    out_ref[...] = r


def _idx_kernel(x_ref, idx_ref):
    s_iota = lax.broadcasted_iota(jnp.int32, x_ref.shape, 1)
    idx_ref[...] = x_ref[...] * MAX_LEN + s_iota


def _combine_win_kernel(tok_ref, pos_ref, gamma_ref, beta_ref, out_ref):
    emb = tok_ref[...][:, None, :] + pos_ref[...][None, :, :]
    mean = jnp.mean(emb, axis=-1, keepdims=True)
    var = jnp.mean(jnp.square(emb - mean), axis=-1, keepdims=True)
    normed = (emb - mean) * jax.lax.rsqrt(var + EPS)
    normed = normed * gamma_ref[...][None, None, :] + beta_ref[...][None, None, :]
    v, s, d = normed.shape
    n_win = s // S_WIN
    out_ref[...] = normed.reshape(v, n_win, S_WIN, d).transpose(1, 0, 2, 3)


def _xt_kernel(x_ref, out_ref):
    out_ref[...] = x_ref[...].T


NUM_WORKERS = 32
SC_CHUNK = 64


NBUF = 4
LOOKAHEAD = 2


def _sc_expand(total_rows, dim):
    b_per_w = total_rows // NUM_WORKERS
    n_chunks = b_per_w // SC_CHUNK
    mesh = plsc.VectorSubcoreMesh(core_axis_name="c", subcore_axis_name="s")

    @functools.partial(
        pl.kernel,
        mesh=mesh,
        out_type=jax.ShapeDtypeStruct((total_rows, dim), jnp.float32),
        scratch_types=(
            [pltpu.VMEM((b_per_w,), jnp.int32)]
            + [pltpu.VMEM((SC_CHUNK, dim), jnp.float32)] * NBUF
            + [pltpu.SemaphoreType.DMA] * (2 * NBUF)
        ),
    )
    def expand(idx_hbm, table_hbm, out_hbm, idx_v, *bufs_sems):
        bufs = bufs_sems[:NBUF]
        gsems = bufs_sems[NBUF:2 * NBUF]
        ssems = bufs_sems[2 * NBUF:]
        wid = lax.axis_index("s") * 2 + lax.axis_index("c")
        base = wid * b_per_w
        pltpu.sync_copy(idx_hbm.at[pl.ds(base, b_per_w)], idx_v)

        def gather(c, b):
            return pltpu.make_async_copy(
                table_hbm.at[idx_v.at[pl.ds(c * SC_CHUNK, SC_CHUNK)]],
                bufs[b], gsems[b])

        def scatter(c, b):
            return pltpu.make_async_copy(
                bufs[b], out_hbm.at[pl.ds(base + c * SC_CHUNK, SC_CHUNK)],
                ssems[b])

        for p in range(LOOKAHEAD):
            gather(p, p % NBUF).start()

        def body(c2, _):
            for u in range(NBUF):
                c = c2 * NBUF + u
                b = u
                nxt = c + LOOKAHEAD
                nb = (u + LOOKAHEAD) % NBUF

                @pl.when(jnp.logical_and(nxt < n_chunks, c >= NBUF - LOOKAHEAD))
                def _():
                    scatter(nxt - NBUF, nb).wait()

                @pl.when(nxt < n_chunks)
                def _():
                    gather(nxt, nb).start()

                gather(c, b).wait()
                scatter(c, b).start()
            return 0

        lax.fori_loop(0, n_chunks // NBUF, body, 0)
        for u in range(NBUF):
            scatter(n_chunks - NBUF + u, u).wait()

    return expand


S_WIN = 16
D_UNROLL = 8


def _sc_expand_win(batch, seq, dim, vocab):
    tbl_words = vocab * S_WIN * dim
    x_words = S_WIN * batch
    mesh = plsc.VectorSubcoreMesh(core_axis_name="c", subcore_axis_name="s")

    @functools.partial(
        pl.kernel,
        mesh=mesh,
        out_type=jax.ShapeDtypeStruct((batch * seq, dim), jnp.float32),
        compiler_params=pltpu.CompilerParams(needs_layout_passes=False),
        scratch_types=[
            pltpu.VMEM_SHARED((32 * tbl_words,), jnp.float32),
            pltpu.VMEM((x_words,), jnp.int32),
            pltpu.VMEM((S_WIN, dim), jnp.float32),
            pltpu.VMEM((S_WIN, dim), jnp.float32),
            pltpu.SemaphoreType.DMA,
            pltpu.SemaphoreType.DMA,
            pltpu.SemaphoreType.DMA,
            pltpu.SemaphoreType.DMA,
        ],
    )
    def expand(xt_hbm, table_hbm, out_hbm, tbl_sp, x_v, buf0, buf1,
               lsem, s0, s1, fsem):
        sid = lax.axis_index("s")
        wid = sid * 2 + lax.axis_index("c")
        s_base = wid * S_WIN
        tb_off = wid * tbl_words

        pltpu.make_async_copy(
            table_hbm.at[pl.ds(sid * 2 * tbl_words, 2 * tbl_words)],
            tbl_sp.at[pl.ds(sid * 2 * tbl_words, 2 * tbl_words)], lsem).start()
        pltpu.make_async_copy(
            xt_hbm.at[pl.ds(wid * x_words, x_words)], x_v, lsem).start()
        pltpu.make_async_copy(
            table_hbm.at[pl.ds(sid * 2 * tbl_words, 2 * tbl_words)],
            tbl_sp.at[pl.ds(sid * 2 * tbl_words, 2 * tbl_words)], lsem).wait()
        pltpu.make_async_copy(
            xt_hbm.at[pl.ds(wid * x_words, x_words)], x_v, lsem).wait()
        plsc.subcore_barrier()

        iota = lax.iota(jnp.int32, 16)
        out_base = s_base + iota
        bufs = (buf0, buf1)
        ssems = (s0, s1)

        def scatter(b_loc, u):
            return pltpu.make_async_copy(
                bufs[u], out_hbm.at[pl.ds(b_loc * seq + s_base, S_WIN), :],
                ssems[u])

        def fill(b_loc, buf):
            xv = x_v[pl.ds(b_loc * S_WIN, S_WIN)]
            rb_vec = tb_off + (xv * S_WIN + iota) * dim
            for l in range(S_WIN):
                rb = jnp.reshape(lax.slice(rb_vec, (l,), (l + 1,)), ())
                rb = pl.multiple_of(rb, dim)
                pltpu.make_async_copy(
                    tbl_sp.at[pl.ds(rb, dim)], buf.at[l], fsem).start()
            pltpu.make_async_copy(
                out_hbm.at[pl.ds(0, S_WIN), :], buf, fsem).wait()

        for u in range(2):
            fill(u, bufs[u])
            scatter(u, u).start()

        def body(b2, _):
            for u in range(2):
                b_loc = b2 * 2 + u
                scatter(b_loc - 2, u).wait()
                fill(b_loc, bufs[u])
                scatter(b_loc, u).start()
            return 0

        lax.fori_loop(1, batch // 2, body, 0)
        scatter(batch - 2, 0).wait()
        scatter(batch - 1, 1).wait()

    return expand


@functools.partial(jax.jit, static_argnums=())
def kernel(x, token_table, pos_table, gamma, beta):
    batch, seq = x.shape
    vocab, dim = token_table.shape

    combined = pl.pallas_call(
        _combine_kernel,
        out_shape=jax.ShapeDtypeStruct((vocab, seq, dim), jnp.float32),
    )(token_table, pos_table[:seq], gamma, beta)

    x = x.astype(jnp.int32)
    combined_win = pl.pallas_call(
        _combine_win_kernel,
        out_shape=jax.ShapeDtypeStruct((seq // S_WIN, vocab, S_WIN, dim),
                                       jnp.float32),
    )(token_table, pos_table[:seq], gamma, beta)
    xw = jnp.transpose(x.reshape(batch, seq // S_WIN, S_WIN),
                       (1, 0, 2)).reshape(-1)
    out = _sc_expand_win(batch, seq, dim, vocab)(
        xw, combined_win.reshape(-1))
    return out.reshape(batch, seq, dim)

# --- scband reference (transcript-rebuilt; emitter-appended) ---
"""Pipeline reference for scband-rnaembedding-77945066487959 (READ-ONLY COPY).

The authoritative reference and input builder live on the scoring server;
editing this copy changes nothing except your own understanding.
"""

import jax, jax.numpy as jnp
import numpy as np

VOCAB = 5
EMBED_DIM = 256
MAX_LEN = 512
BATCH = 1024
SEQ_LEN = 512
EPS = 1e-5


def setup_inputs(seed: int = 0) -> dict:
    key = jax.random.key(seed)
    k1, k2, k3 = jax.random.split(key, 3)
    x = jax.random.randint(k1, (BATCH, SEQ_LEN), 0, VOCAB)
    token_table = jax.random.normal(k2, (VOCAB, EMBED_DIM), dtype=jnp.float32)
    # padding_idx=4 row initialized to zeros (as in nn.Embedding with padding_idx)
    token_table = token_table.at[4].set(0.0)
    pos_table = jax.random.normal(k3, (MAX_LEN, EMBED_DIM), dtype=jnp.float32)
    gamma = jnp.ones((EMBED_DIM,), dtype=jnp.float32)
    beta = jnp.zeros((EMBED_DIM,), dtype=jnp.float32)
    return {"x": x, "token_table": token_table, "pos_table": pos_table, "gamma": gamma, "beta": beta}


def reference(x, token_table, pos_table, gamma, beta):
    batch_size, seq_len = x.shape
    # token embedding: gather rows
    token_emb = jnp.take(token_table, x, axis=0)  # (B, S, D)
    # positional embedding: gather first seq_len rows, broadcast over batch
    positions = jnp.arange(seq_len)
    pos_emb = jnp.take(pos_table, positions, axis=0)[None, :, :]  # (1, S, D)
    embeddings = token_emb + pos_emb
    # LayerNorm over last dim (biased variance, eps=1e-5, affine)
    mean = jnp.mean(embeddings, axis=-1, keepdims=True)
    var = jnp.mean(jnp.square(embeddings - mean), axis=-1, keepdims=True)
    normed = (embeddings - mean) / jnp.sqrt(var + EPS)
    out = normed * gamma + beta
    return out

if __name__ == "__main__":
    import jax
    _d = setup_inputs()
    print(jax.jit(kernel)(*tuple(_d.values())))

</pallas_src>

<mosaic_0001>
#map = affine_map<(d0, d1) -> (0)>
#map1 = affine_map<(d0, d1) -> (0, 0)>
module attributes {stable_mosaic.version = 14 : i64} {
  func.func @expand(%arg0: i32, %arg1: i32, %arg2: memref<524288xi32, #tpu.memory_space<hbm>>, %arg3: memref<655360xf32, #tpu.memory_space<hbm>>, %arg4: memref<524288x256xf32, #tpu.memory_space<hbm>>, %arg5: memref<655360xf32, #tpu.memory_space<vmem_shared>>, %arg6: memref<16384xi32, #tpu.memory_space<vmem>>, %arg7: memref<16x256xf32, #tpu.memory_space<vmem>>, %arg8: memref<16x256xf32, #tpu.memory_space<vmem>>, %arg9: memref<!tpu.dma_semaphore, #tpu.memory_space<semaphore_mem>>, %arg10: memref<!tpu.dma_semaphore, #tpu.memory_space<semaphore_mem>>, %arg11: memref<!tpu.dma_semaphore, #tpu.memory_space<semaphore_mem>>, %arg12: memref<!tpu.dma_semaphore, #tpu.memory_space<semaphore_mem>>) attributes {dimension_semantics = [#tpu.dimension_semantics<core_parallel>, #tpu.dimension_semantics<subcore_parallel>], iteration_bounds = array<i64: 2, 16>, scalar_prefetch = 0 : i64, scratch_operands = 8 : i64, tpu.core_type = #tpu.core_type<sc_vector_subcore>, window_params = [{transform_indices = #map}, {transform_indices = #map}, {transform_indices = #map1}]} {
    %mul3A = arith.constant 2 : i32
    %mul3A_0 = arith.muli %arg1, %mul3A : i32
    %add3A = arith.addi %mul3A_0, %arg0 : i32
    %mul3A_1 = arith.constant 16 : i32
    %mul3A_2 = arith.muli %add3A, %mul3A_1 : i32
    %mul3A_3 = arith.constant 20480 : i32
    %mul3A_4 = arith.muli %add3A, %mul3A_3 : i32
    %mul3A_5 = arith.constant 2 : i32
    %mul3A_6 = arith.muli %arg1, %mul3A_5 : i32
    %mul3A_7 = arith.constant 20480 : i32
    %mul3A_8 = arith.muli %mul3A_6, %mul3A_7 : i32
    %mul3A_9 = arith.constant 2 : i32
    %mul3A_10 = arith.muli %arg1, %mul3A_9 : i32
    %mul3A_11 = arith.constant 20480 : i32
    %mul3A_12 = arith.muli %mul3A_10, %mul3A_11 : i32
    %dma_start3A = tpu.memref_slice %arg5[%mul3A_12] : memref<655360xf32, #tpu.memory_space<vmem_shared>> -> memref<40960xf32, #tpu.memory_space<vmem_shared>>
    %dma_start3A_13 = tpu.memref_slice %arg3[%mul3A_8] : memref<655360xf32, #tpu.memory_space<hbm>> -> memref<40960xf32, #tpu.memory_space<hbm>>
    tpu.enqueue_dma source(%dma_start3A_13 : memref<40960xf32, #tpu.memory_space<hbm>>) target(%dma_start3A : memref<40960xf32, #tpu.memory_space<vmem_shared>>) target_semaphore(%arg9 : memref<!tpu.dma_semaphore, #tpu.memory_space<semaphore_mem>>)
    %mul3A_14 = arith.constant 16384 : i32
    %mul3A_15 = arith.muli %add3A, %mul3A_14 : i32
    %dma_start3A_16 = tpu.memref_slice %arg2[%mul3A_15] : memref<524288xi32, #tpu.memory_space<hbm>> -> memref<16384xi32, #tpu.memory_space<hbm>>
    %dma_start3A_17 = tpu.memref_slice %arg2[%mul3A_15] : memref<524288xi32, #tpu.memory_space<hbm>> -> memref<16384xi32, #tpu.memory_space<hbm>>
    tpu.enqueue_dma source(%dma_start3A_17 : memref<16384xi32, #tpu.memory_space<hbm>>) target(%arg6 : memref<16384xi32, #tpu.memory_space<vmem>>) target_semaphore(%arg9 : memref<!tpu.dma_semaphore, #tpu.memory_space<semaphore_mem>>)
    %mul3A_18 = arith.constant 2 : i32
    %mul3A_19 = arith.muli %arg1, %mul3A_18 : i32
    %mul3A_20 = arith.constant 20480 : i32
    %mul3A_21 = arith.muli %mul3A_19, %mul3A_20 : i32
    %mul3A_22 = arith.constant 2 : i32
    %mul3A_23 = arith.muli %arg1, %mul3A_22 : i32
    %mul3A_24 = arith.constant 20480 : i32
    %mul3A_25 = arith.muli %mul3A_23, %mul3A_24 : i32
    %dma_wait3A = tpu.memref_slice %arg5[%mul3A_25] : memref<655360xf32, #tpu.memory_space<vmem_shared>> -> memref<40960xf32, #tpu.memory_space<vmem_shared>>
    %dma_wait3A_26 = tpu.memref_slice %arg3[%mul3A_21] : memref<655360xf32, #tpu.memory_space<hbm>> -> memref<40960xf32, #tpu.memory_space<hbm>>
    tpu.wait_dma2 semaphore(%arg9 : memref<!tpu.dma_semaphore, #tpu.memory_space<semaphore_mem>>) src(%dma_wait3A_26 : memref<40960xf32, #tpu.memory_space<hbm>>) dst(%dma_wait3A : memref<40960xf32, #tpu.memory_space<vmem_shared>>)
    %mul3A_27 = arith.constant 16384 : i32
    %mul3A_28 = arith.muli %add3A, %mul3A_27 : i32
    %dma_wait3A_29 = tpu.memref_slice %arg2[%mul3A_28] : memref<524288xi32, #tpu.memory_space<hbm>> -> memref<16384xi32, #tpu.memory_space<hbm>>
    %dma_wait3A_30 = tpu.memref_slice %arg2[%mul3A_28] : memref<524288xi32, #tpu.memory_space<hbm>> -> memref<16384xi32, #tpu.memory_space<hbm>>
    tpu.wait_dma2 semaphore(%arg9 : memref<!tpu.dma_semaphore, #tpu.memory_space<semaphore_mem>>) src(%dma_wait3A_30 : memref<16384xi32, #tpu.memory_space<hbm>>) dst(%arg6 : memref<16384xi32, #tpu.memory_space<vmem>>)
    %barrier3A = arith.constant 0 : index
    tpu.barrier barrier_id(%barrier3A)
    %iota3A = tpu.iota {dimensions = array<i32: 0>} : vector<16xi32>
    %add3A_31 = vector.broadcast %mul3A_2 : i32 to vector<16xi32>
    %add3A_32 = arith.addi %add3A_31, %iota3A : vector<16xi32>
    %get3A = arith.constant 0 : index
    %get3A_33 = tpu.vector_load %arg6[%get3A] {strides = array<i32>} : memref<16384xi32, #tpu.memory_space<vmem>>, vector<16xi32>,
    %mul3A_34 = arith.constant 16 : i32
    %mul3A_35 = vector.broadcast %mul3A_34 : i32 to vector<16xi32>
    %mul3A_36 = arith.muli %get3A_33, %mul3A_35 : vector<16xi32>
    %add3A_37 = arith.addi %mul3A_36, %iota3A : vector<16xi32>
    %mul3A_38 = arith.constant 256 : i32
    %mul3A_39 = vector.broadcast %mul3A_38 : i32 to vector<16xi32>
    %mul3A_40 = arith.muli %add3A_37, %mul3A_39 : vector<16xi32>
    %add3A_41 = vector.broadcast %mul3A_4 : i32 to vector<16xi32>
    %add3A_42 = arith.addi %add3A_41, %mul3A_40 : vector<16xi32>
    %slice3A = vector.extract_strided_slice %add3A_42 {offsets = [0], sizes = [1], strides = [1]} : vector<16xi32> to vector<1xi32>
    %reshape3A = vector.extract %slice3A[0] : i32 from vector<1xi32>
    %multiple_of3A = tpu.assume_multiple %reshape3A, 256 : i32
    %dma_start3A_43 = arith.constant 0 : i32
    %dma_start3A_44 = arith.constant 0 : i32
    %dma_start3A_45 = tpu.memref_slice %arg7[%dma_start3A_43, %dma_start3A_44] : memref<16x256xf32, #tpu.memory_space<vmem>> -> memref<1x256xf32, #tpu.memory_space<vmem>>
    %dma_start3A_46 = tpu.memref_squeeze %dma_start3A_45 : memref<1x256xf32, #tpu.memory_space<vmem>> -> memref<256xf32, #tpu.memory_space<vmem>>
    %dma_start3A_47 = tpu.memref_slice %arg5[%multiple_of3A] : memref<655360xf32, #tpu.memory_space<vmem_shared>> -> memref<256xf32, #tpu.memory_space<vmem_shared>>
    %dma_start3A_48 = arith.constant 0 : i32
    %dma_start3A_49 = tpu.memref_slice %arg7[%dma_start3A_43, %dma_start3A_48] : memref<16x256xf32, #tpu.memory_space<vmem>> -> memref<1x256xf32, #tpu.memory_space<vmem>>
    %dma_start3A_50 = tpu.memref_squeeze %dma_start3A_49 : memref<1x256xf32, #tpu.memory_space<vmem>> -> memref<256xf32, #tpu.memory_space<vmem>>
    %dma_start3A_51 = tpu.memref_slice %arg5[%multiple_of3A] : memref<655360xf32, #tpu.memory_space<vmem_shared>> -> memref<256xf32, #tpu.memory_space<vmem_shared>>
    tpu.enqueue_dma source(%dma_start3A_51 : memref<256xf32, #tpu.memory_space<vmem_shared>>) target(%dma_start3A_50 : memref<256xf32, #tpu.memory_space<vmem>>) target_semaphore(%arg12 : memref<!tpu.dma_semaphore, #tpu.memory_space<semaphore_mem>>)
    %slice3A_52 = vector.extract_strided_slice %add3A_42 {offsets = [1], sizes = [1], strides = [1]} : vector<16xi32> to vector<1xi32>
    %reshape3A_53 = vector.extract %slice3A_52[0] : i32 from vector<1xi32>
    %multiple_of3A_54 = tpu.assume_multiple %reshape3A_53, 256 : i32
    %dma_start3A_55 = arith.constant 1 : i32
    %dma_start3A_56 = arith.constant 0 : i32
    %dma_start3A_57 = tpu.memref_slice %arg7[%dma_start3A_55, %dma_start3A_56] : memref<16x256xf32, #tpu.memory_space<vmem>> -> memref<1x256xf32, #tpu.memory_space<vmem>>
    %dma_start3A_58 = tpu.memref_squeeze %dma_start3A_57 : memref<1x256xf32, #tpu.memory_space<vmem>> -> memref<256xf32, #tpu.memory_space<vmem>>
    %dma_start3A_59 = tpu.memref_slice %arg5[%multiple_of3A_54] : memref<655360xf32, #tpu.memory_space<vmem_shared>> -> memref<256xf32, #tpu.memory_space<vmem_shared>>
    %dma_start3A_60 = arith.constant 0 : i32
    %dma_start3A_61 = tpu.memref_slice %arg7[%dma_start3A_55, %dma_start3A_60] : memref<16x256xf32, #tpu.memory_space<vmem>> -> memref<1x256xf32, #tpu.memory_space<vmem>>
    %dma_start3A_62 = tpu.memref_squeeze %dma_start3A_61 : memref<1x256xf32, #tpu.memory_space<vmem>> -> memref<256xf32, #tpu.memory_space<vmem>>
    %dma_start3A_63 = tpu.memref_slice %arg5[%multiple_of3A_54] : memref<655360xf32, #tpu.memory_space<vmem_shared>> -> memref<256xf32, #tpu.memory_space<vmem_shared>>
    tpu.enqueue_dma source(%dma_start3A_63 : memref<256xf32, #tpu.memory_space<vmem_shared>>) target(%dma_start3A_62 : memref<256xf32, #tpu.memory_space<vmem>>) target_semaphore(%arg12 : memref<!tpu.dma_semaphore, #tpu.memory_space<semaphore_mem>>)
    %slice3A_64 = vector.extract_strided_slice %add3A_42 {offsets = [2], sizes = [1], strides = [1]} : vector<16xi32> to vector<1xi32>
    %reshape3A_65 = vector.extract %slice3A_64[0] : i32 from vector<1xi32>
    %multiple_of3A_66 = tpu.assume_multiple %reshape3A_65, 256 : i32
    %dma_start3A_67 = arith.constant 2 : i32
    %dma_start3A_68 = arith.constant 0 : i32
    %dma_start3A_69 = tpu.memref_slice %arg7[%dma_start3A_67, %dma_start3A_68] : memref<16x256xf32, #tpu.memory_space<vmem>> -> memref<1x256xf32, #tpu.memory_space<vmem>>
    %dma_start3A_70 = tpu.memref_squeeze %dma_start3A_69 : memref<1x256xf32, #tpu.memory_space<vmem>> -> memref<256xf32, #tpu.memory_space<vmem>>
    %dma_start3A_71 = tpu.memref_slice %arg5[%multiple_of3A_66] : memref<655360xf32, #tpu.memory_space<vmem_shared>> -> memref<256xf32, #tpu.memory_space<vmem_shared>>
    %dma_start3A_72 = arith.constant 0 : i32
    %dma_start3A_73 = tpu.memref_slice %arg7[%dma_start3A_67, %dma_start3A_72] : memref<16x256xf32, #tpu.memory_space<vmem>> -> memref<1x256xf32, #tpu.memory_space<vmem>>
    %dma_start3A_74 = tpu.memref_squeeze %dma_start3A_73 : memref<1x256xf32, #tpu.memory_space<vmem>> -> memref<256xf32, #tpu.memory_space<vmem>>
    %dma_start3A_75 = tpu.memref_slice %arg5[%multiple_of3A_66] : memref<655360xf32, #tpu.memory_space<vmem_shared>> -> memref<256xf32, #tpu.memory_space<vmem_shared>>
    tpu.enqueue_dma source(%dma_start3A_75 : memref<256xf32, #tpu.memory_space<vmem_shared>>) target(%dma_start3A_74 : memref<256xf32, #tpu.memory_space<vmem>>) target_semaphore(%arg12 : memref<!tpu.dma_semaphore, #tpu.memory_space<semaphore_mem>>)
    %slice3A_76 = vector.extract_strided_slice %add3A_42 {offsets = [3], sizes = [1], strides = [1]} : vector<16xi32> to vector<1xi32>
    %reshape3A_77 = vector.extract %slice3A_76[0] : i32 from vector<1xi32>
    %multiple_of3A_78 = tpu.assume_multiple %reshape3A_77, 256 : i32
    %dma_start3A_79 = arith.constant 3 : i32
    %dma_start3A_80 = arith.constant 0 : i32
    %dma_start3A_81 = tpu.memref_slice %arg7[%dma_start3A_79, %dma_start3A_80] : memref<16x256xf32, #tpu.memory_space<vmem>> -> memref<1x256xf32, #tpu.memory_space<vmem>>
    %dma_start3A_82 = tpu.memref_squeeze %dma_start3A_81 : memref<1x256xf32, #tpu.memory_space<vmem>> -> memref<256xf32, #tpu.memory_space<vmem>>
    %dma_start3A_83 = tpu.memref_slice %arg5[%multiple_of3A_78] : memref<655360xf32, #tpu.memory_space<vmem_shared>> -> memref<256xf32, #tpu.memory_space<vmem_shared>>
    %dma_start3A_84 = arith.constant 0 : i32
    %dma_start3A_85 = tpu.memref_slice %arg7[%dma_start3A_79, %dma_start3A_84] : memref<16x256xf32, #tpu.memory_space<vmem>> -> memref<1x256xf32, #tpu.memory_space<vmem>>
    %dma_start3A_86 = tpu.memref_squeeze %dma_start3A_85 : memref<1x256xf32, #tpu.memory_space<vmem>> -> memref<256xf32, #tpu.memory_space<vmem>>
    %dma_start3A_87 = tpu.memref_slice %arg5[%multiple_of3A_78] : memref<655360xf32, #tpu.memory_space<vmem_shared>> -> memref<256xf32, #tpu.memory_space<vmem_shared>>
    tpu.enqueue_dma source(%dma_start3A_87 : memref<256xf32, #tpu.memory_space<vmem_shared>>) target(%dma_start3A_86 : memref<256xf32, #tpu.memory_space<vmem>>) target_semaphore(%arg12 : memref<!tpu.dma_semaphore, #tpu.memory_space<semaphore_mem>>)
    %slice3A_88 = vector.extract_strided_slice %add3A_42 {offsets = [4], sizes = [1], strides = [1]} : vector<16xi32> to vector<1xi32>
    %reshape3A_89 = vector.extract %slice3A_88[0] : i32 from vector<1xi32>
    %multiple_of3A_90 = tpu.assume_multiple %reshape3A_89, 256 : i32
    %dma_start3A_91 = arith.constant 4 : i32
    %dma_start3A_92 = arith.constant 0 : i32
    %dma_start3A_93 = tpu.memref_slice %arg7[%dma_start3A_91, %dma_start3A_92] : memref<16x256xf32, #tpu.memory_space<vmem>> -> memref<1x256xf32, #tpu.memory_space<vmem>>
    %dma_start3A_94 = tpu.memref_squeeze %dma_start3A_93 : memref<1x256xf32, #tpu.memory_space<vmem>> -> memref<256xf32, #tpu.memory_space<vmem>>
    %dma_start3A_95 = tpu.memref_slice %arg5[%multiple_of3A_90] : memref<655360xf32, #tpu.memory_space<vmem_shared>> -> memref<256xf32, #tpu.memory_space<vmem_shared>>
    %dma_start3A_96 = arith.constant 0 : i32
    %dma_start3A_97 = tpu.memref_slice %arg7[%dma_start3A_91, %dma_start3A_96] : memref<16x256xf32, #tpu.memory_space<vmem>> -> memref<1x256xf32, #tpu.memory_space<vmem>>
    %dma_start3A_98 = tpu.memref_squeeze %dma_start3A_97 : memref<1x256xf32, #tpu.memory_space<vmem>> -> memref<256xf32, #tpu.memory_space<vmem>>
    %dma_start3A_99 = tpu.memref_slice %arg5[%multiple_of3A_90] : memref<655360xf32, #tpu.memory_space<vmem_shared>> -> memref<256xf32, #tpu.memory_space<vmem_shared>>
    tpu.enqueue_dma source(%dma_start3A_99 : memref<256xf32, #tpu.memory_space<vmem_shared>>) target(%dma_start3A_98 : memref<256xf32, #tpu.memory_space<vmem>>) target_semaphore(%arg12 : memref<!tpu.dma_semaphore, #tpu.memory_space<semaphore_mem>>)
    %slice3A_100 = vector.extract_strided_slice %add3A_42 {offsets = [5], sizes = [1], strides = [1]} : vector<16xi32> to vector<1xi32>
    %reshape3A_101 = vector.extract %slice3A_100[0] : i32 from vector<1xi32>
    %multiple_of3A_102 = tpu.assume_multiple %reshape3A_101, 256 : i32
    %dma_start3A_103 = arith.constant 5 : i32
    %dma_start3A_104 = arith.constant 0 : i32
    %dma_start3A_105 = tpu.memref_slice %arg7[%dma_start3A_103, %dma_start3A_104] : memref<16x256xf32, #tpu.memory_space<vmem>> -> memref<1x256xf32, #tpu.memory_space<vmem>>
    %dma_start3A_106 = tpu.memref_squeeze %dma_start3A_105 : memref<1x256xf32, #tpu.memory_space<vmem>> -> memref<256xf32, #tpu.memory_space<vmem>>
    %dma_start3A_107 = tpu.memref_slice %arg5[%multiple_of3A_102] : memref<655360xf32, #tpu.memory_space<vmem_shared>> -> memref<256xf32, #tpu.memory_space<vmem_shared>>
    %dma_start3A_108 = arith.constant 0 : i32
    %dma_start3A_109 = tpu.memref_slice %arg7[%dma_start3A_103, %dma_start3A_108] : memref<16x256xf32, #tpu.memory_space<vmem>> -> memref<1x256xf32, #tpu.memory_space<vmem>>
    %dma_start3A_110 = tpu.memref_squeeze %dma_start3A_109 : memref<1x256xf32, #tpu.memory_space<vmem>> -> memref<256xf32, #tpu.memory_space<vmem>>
    %dma_start3A_111 = tpu.memref_slice %arg5[%multiple_of3A_102] : memref<655360xf32, #tpu.memory_space<vmem_shared>> -> memref<256xf32, #tpu.memory_space<vmem_shared>>
    tpu.enqueue_dma source(%dma_start3A_111 : memref<256xf32, #tpu.memory_space<vmem_shared>>) target(%dma_start3A_110 : memref<256xf32, #tpu.memory_space<vmem>>) target_semaphore(%arg12 : memref<!tpu.dma_semaphore, #tpu.memory_space<semaphore_mem>>)
    %slice3A_112 = vector.extract_strided_slice %add3A_42 {offsets = [6], sizes = [1], strides = [1]} : vector<16xi32> to vector<1xi32>
    %reshape3A_113 = vector.extract %slice3A_112[0] : i32 from vector<1xi32>
    %multiple_of3A_114 = tpu.assume_multiple %reshape3A_113, 256 : i32
    %dma_start3A_115 = arith.constant 6 : i32
    %dma_start3A_116 = arith.constant 0 : i32
    %dma_start3A_117 = tpu.memref_slice %arg7[%dma_start3A_115, %dma_start3A_116] : memref<16x256xf32, #tpu.memory_space<vmem>> -> memref<1x256xf32, #tpu.memory_space<vmem>>
    %dma_start3A_118 = tpu.memref_squeeze %dma_start3A_117 : memref<1x256xf32, #tpu.memory_space<vmem>> -> memref<256xf32, #tpu.memory_space<vmem>>
    %dma_start3A_119 = tpu.memref_slice %arg5[%multiple_of3A_114] : memref<655360xf32, #tpu.memory_space<vmem_shared>> -> memref<256xf32, #tpu.memory_space<vmem_shared>>
    %dma_start3A_120 = arith.constant 0 : i32
    %dma_start3A_121 = tpu.memref_slice %arg7[%dma_start3A_115, %dma_start3A_120] : memref<16x256xf32, #tpu.memory_space<vmem>> -> memref<1x256xf32, #tpu.memory_space<vmem>>
    %dma_start3A_122 = tpu.memref_squeeze %dma_start3A_121 : memref<1x256xf32, #tpu.memory_space<vmem>> -> memref<256xf32, #tpu.memory_space<vmem>>
    %dma_start3A_123 = tpu.memref_slice %arg5[%multiple_of3A_114] : memref<655360xf32, #tpu.memory_space<vmem_shared>> -> memref<256xf32, #tpu.memory_space<vmem_shared>>
    tpu.enqueue_dma source(%dma_start3A_123 : memref<256xf32, #tpu.memory_space<vmem_shared>>) target(%dma_start3A_122 : memref<256xf32, #tpu.memory_space<vmem>>) target_semaphore(%arg12 : memref<!tpu.dma_semaphore, #tpu.memory_space<semaphore_mem>>)
    %slice3A_124 = vector.extract_strided_slice %add3A_42 {offsets = [7], sizes = [1], strides = [1]} : vector<16xi32> to vector<1xi32>
    %reshape3A_125 = vector.extract %slice3A_124[0] : i32 from vector<1xi32>
    %multiple_of3A_126 = tpu.assume_multiple %reshape3A_125, 256 : i32
    %dma_start3A_127 = arith.constant 7 : i32
    %dma_start3A_128 = arith.constant 0 : i32
    %dma_start3A_129 = tpu.memref_slice %arg7[%dma_start3A_127, %dma_start3A_128] : memref<16x256xf32, #tpu.memory_space<vmem>> -> memref<1x256xf32, #tpu.memory_space<vmem>>
    %dma_start3A_130 = tpu.memref_squeeze %dma_start3A_129 : memref<1x256xf32, #tpu.memory_space<vmem>> -> memref<256xf32, #tpu.memory_space<vmem>>
    %dma_start3A_131 = tpu.memref_slice %arg5[%multiple_of3A_126] : memref<655360xf32, #tpu.memory_space<vmem_shared>> -> memref<256xf32, #tpu.memory_space<vmem_shared>>
    %dma_start3A_132 = arith.constant 0 : i32
    %dma_start3A_133 = tpu.memref_slice %arg7[%dma_start3A_127, %dma_start3A_132] : memref<16x256xf32, #tpu.memory_space<vmem>> -> memref<1x256xf32, #tpu.memory_space<vmem>>
    %dma_start3A_134 = tpu.memref_squeeze %dma_start3A_133 : memref<1x256xf32, #tpu.memory_space<vmem>> -> memref<256xf32, #tpu.memory_space<vmem>>
    %dma_start3A_135 = tpu.memref_slice %arg5[%multiple_of3A_126] : memref<655360xf32, #tpu.memory_space<vmem_shared>> -> memref<256xf32, #tpu.memory_space<vmem_shared>>
    tpu.enqueue_dma source(%dma_start3A_135 : memref<256xf32, #tpu.memory_space<vmem_shared>>) target(%dma_start3A_134 : memref<256xf32, #tpu.memory_space<vmem>>) target_semaphore(%arg12 : memref<!tpu.dma_semaphore, #tpu.memory_space<semaphore_mem>>)
    %slice3A_136 = vector.extract_strided_slice %add3A_42 {offsets = [8], sizes = [1], strides = [1]} : vector<16xi32> to vector<1xi32>
    %reshape3A_137 = vector.extract %slice3A_136[0] : i32 from vector<1xi32>
    %multiple_of3A_138 = tpu.assume_multiple %reshape3A_137, 256 : i32
    %dma_start3A_139 = arith.constant 8 : i32
    %dma_start3A_140 = arith.constant 0 : i32
    %dma_start3A_141 = tpu.memref_slice %arg7[%dma_start3A_139, %dma_start3A_140] : memref<16x256xf32, #tpu.memory_space<vmem>> -> memref<1x256xf32, #tpu.memory_space<vmem>>
    %dma_start3A_142 = tpu.memref_squeeze %dma_start3A_141 : memref<1x256xf32, #tpu.memory_space<vmem>> -> memref<256xf32, #tpu.memory_space<vmem>>
    %dma_start3A_143 = tpu.memref_slice %arg5[%multiple_of3A_138] : memref<655360xf32, #tpu.memory_space<vmem_shared>> -> memref<256xf32, #tpu.memory_space<vmem_shared>>
    %dma_start3A_144 = arith.constant 0 : i32
    %dma_start3A_145 = tpu.memref_slice %arg7[%dma_start3A_139, %dma_start3A_144] : memref<16x256xf32, #tpu.memory_space<vmem>> -> memref<1x256xf32, #tpu.memory_space<vmem>>
    %dma_start3A_146 = tpu.memref_squeeze %dma_start3A_145 : memref<1x256xf32, #tpu.memory_space<vmem>> -> memref<256xf32, #tpu.memory_space<vmem>>
    %dma_start3A_147 = tpu.memref_slice %arg5[%multiple_of3A_138] : memref<655360xf32, #tpu.memory_space<vmem_shared>> -> memref<256xf32, #tpu.memory_space<vmem_shared>>
    tpu.enqueue_dma source(%dma_start3A_147 : memref<256xf32, #tpu.memory_space<vmem_shared>>) target(%dma_start3A_146 : memref<256xf32, #tpu.memory_space<vmem>>) target_semaphore(%arg12 : memref<!tpu.dma_semaphore, #tpu.memory_space<semaphore_mem>>)
    %slice3A_148 = vector.extract_strided_slice %add3A_42 {offsets = [9], sizes = [1], strides = [1]} : vector<16xi32> to vector<1xi32>
    %reshape3A_149 = vector.extract %slice3A_148[0] : i32 from vector<1xi32>
    %multiple_of3A_150 = tpu.assume_multiple %reshape3A_149, 256 : i32
    %dma_start3A_151 = arith.constant 9 : i32
    %dma_start3A_152 = arith.constant 0 : i32
    %dma_start3A_153 = tpu.memref_slice %arg7[%dma_start3A_151, %dma_start3A_152] : memref<16x256xf32, #tpu.memory_space<vmem>> -> memref<1x256xf32, #tpu.memory_space<vmem>>
    %dma_start3A_154 = tpu.memref_squeeze %dma_start3A_153 : memref<1x256xf32, #tpu.memory_space<vmem>> -> memref<256xf32, #tpu.memory_space<vmem>>
    %dma_start3A_155 = tpu.memref_slice %arg5[%multiple_of3A_150] : memref<655360xf32, #tpu.memory_space<vmem_shared>> -> memref<256xf32, #tpu.memory_space<vmem_shared>>
    %dma_start3A_156 = arith.constant 0 : i32
    %dma_start3A_157 = tpu.memref_slice %arg7[%dma_start3A_151, %dma_start3A_156] : memref<16x256xf32, #tpu.memory_space<vmem>> -> memref<1x256xf32, #tpu.memory_space<vmem>>
    %dma_start3A_158 = tpu.memref_squeeze %dma_start3A_157 : memref<1x256xf32, #tpu.memory_space<vmem>> -> memref<256xf32, #tpu.memory_space<vmem>>
    %dma_start3A_159 = tpu.memref_slice %arg5[%multiple_of3A_150] : memref<655360xf32, #tpu.memory_space<vmem_shared>> -> memref<256xf32, #tpu.memory_space<vmem_shared>>
    tpu.enqueue_dma source(%dma_start3A_159 : memref<256xf32, #tpu.memory_space<vmem_shared>>) target(%dma_start3A_158 : memref<256xf32, #tpu.memory_space<vmem>>) target_semaphore(%arg12 : memref<!tpu.dma_semaphore, #tpu.memory_space<semaphore_mem>>)
    %slice3A_160 = vector.extract_strided_slice %add3A_42 {offsets = [10], sizes = [1], strides = [1]} : vector<16xi32> to vector<1xi32>
    %reshape3A_161 = vector.extract %slice3A_160[0] : i32 from vector<1xi32>
    %multiple_of3A_162 = tpu.assume_multiple %reshape3A_161, 256 : i32
    %dma_start3A_163 = arith.constant 10 : i32
    %dma_start3A_164 = arith.constant 0 : i32
    %dma_start3A_165 = tpu.memref_slice %arg7[%dma_start3A_163, %dma_start3A_164] : memref<16x256xf32, #tpu.memory_space<vmem>> -> memref<1x256xf32, #tpu.memory_space<vmem>>
    %dma_start3A_166 = tpu.memref_squeeze %dma_start3A_165 : memref<1x256xf32, #tpu.memory_space<vmem>> -> memref<256xf32, #tpu.memory_space<vmem>>
    %dma_start3A_167 = tpu.memref_slice %arg5[%multiple_of3A_162] : memref<655360xf32, #tpu.memory_space<vmem_shared>> -> memref<256xf32, #tpu.memory_space<vmem_shared>>
    %dma_start3A_168 = arith.constant 0 : i32
    %dma_start3A_169 = tpu.memref_slice %arg7[%dma_start3A_163, %dma_start3A_168] : memref<16x256xf32, #tpu.memory_space<vmem>> -> memref<1x256xf32, #tpu.memory_space<vmem>>
    %dma_start3A_170 = tpu.memref_squeeze %dma_start3A_169 : memref<1x256xf32, #tpu.memory_space<vmem>> -> memref<256xf32, #tpu.memory_space<vmem>>
    %dma_start3A_171 = tpu.memref_slice %arg5[%multiple_of3A_162] : memref<655360xf32, #tpu.memory_space<vmem_shared>> -> memref<256xf32, #tpu.memory_space<vmem_shared>>
    tpu.enqueue_dma source(%dma_start3A_171 : memref<256xf32, #tpu.memory_space<vmem_shared>>) target(%dma_start3A_170 : memref<256xf32, #tpu.memory_space<vmem>>) target_semaphore(%arg12 : memref<!tpu.dma_semaphore, #tpu.memory_space<semaphore_mem>>)
    %slice3A_172 = vector.extract_strided_slice %add3A_42 {offsets = [11], sizes = [1], strides = [1]} : vector<16xi32> to vector<1xi32>
    %reshape3A_173 = vector.extract %slice3A_172[0] : i32 from vector<1xi32>
    %multiple_of3A_174 = tpu.assume_multiple %reshape3A_173, 256 : i32
    %dma_start3A_175 = arith.constant 11 : i32
    %dma_start3A_176 = arith.constant 0 : i32
    %dma_start3A_177 = tpu.memref_slice %arg7[%dma_start3A_175, %dma_start3A_176] : memref<16x256xf32, #tpu.memory_space<vmem>> -> memref<1x256xf32, #tpu.memory_space<vmem>>
    %dma_start3A_178 = tpu.memref_squeeze %dma_start3A_177 : memref<1x256xf32, #tpu.memory_space<vmem>> -> memref<256xf32, #tpu.memory_space<vmem>>
    %dma_start3A_179 = tpu.memref_slice %arg5[%multiple_of3A_174] : memref<655360xf32, #tpu.memory_space<vmem_shared>> -> memref<256xf32, #tpu.memory_space<vmem_shared>>
    %dma_start3A_180 = arith.constant 0 : i32
    %dma_start3A_181 = tpu.memref_slice %arg7[%dma_start3A_175, %dma_start3A_180] : memref<16x256xf32, #tpu.memory_space<vmem>> -> memref<1x256xf32, #tpu.memory_space<vmem>>
    %dma_start3A_182 = tpu.memref_squeeze %dma_start3A_181 : memref<1x256xf32, #tpu.memory_space<vmem>> -> memref<256xf32, #tpu.memory_space<vmem>>
    %dma_start3A_183 = tpu.memref_slice %arg5[%multiple_of3A_174] : memref<655360xf32, #tpu.memory_space<vmem_shared>> -> memref<256xf32, #tpu.memory_space<vmem_shared>>
    tpu.enqueue_dma source(%dma_start3A_183 : memref<256xf32, #tpu.memory_space<vmem_shared>>) target(%dma_start3A_182 : memref<256xf32, #tpu.memory_space<vmem>>) target_semaphore(%arg12 : memref<!tpu.dma_semaphore, #tpu.memory_space<semaphore_mem>>)
    %slice3A_184 = vector.extract_strided_slice %add3A_42 {offsets = [12], sizes = [1], strides = [1]} : vector<16xi32> to vector<1xi32>
    %reshape3A_185 = vector.extract %slice3A_184[0] : i32 from vector<1xi32>
    %multiple_of3A_186 = tpu.assume_multiple %reshape3A_185, 256 : i32
    %dma_start3A_187 = arith.constant 12 : i32
    %dma_start3A_188 = arith.constant 0 : i32
    %dma_start3A_189 = tpu.memref_slice %arg7[%dma_start3A_187, %dma_start3A_188] : memref<16x256xf32, #tpu.memory_space<vmem>> -> memref<1x256xf32, #tpu.memory_space<vmem>>
    %dma_start3A_190 = tpu.memref_squeeze %dma_start3A_189 : memref<1x256xf32, #tpu.memory_space<vmem>> -> memref<256xf32, #tpu.memory_space<vmem>>
    %dma_start3A_191 = tpu.memref_slice %arg5[%multiple_of3A_186] : memref<655360xf32, #tpu.memory_space<vmem_shared>> -> memref<256xf32, #tpu.memory_space<vmem_shared>>
    %dma_start3A_192 = arith.constant 0 : i32
    %dma_start3A_193 = tpu.memref_slice %arg7[%dma_start3A_187, %dma_start3A_192] : memref<16x256xf32, #tpu.memory_space<vmem>> -> memref<1x256xf32, #tpu.memory_space<vmem>>
    %dma_start3A_194 = tpu.memref_squeeze %dma_start3A_193 : memref<1x256xf32, #tpu.memory_space<vmem>> -> memref<256xf32, #tpu.memory_space<vmem>>
    %dma_start3A_195 = tpu.memref_slice %arg5[%multiple_of3A_186] : memref<655360xf32, #tpu.memory_space<vmem_shared>> -> memref<256xf32, #tpu.memory_space<vmem_shared>>
    tpu.enqueue_dma source(%dma_start3A_195 : memref<256xf32, #tpu.memory_space<vmem_shared>>) target(%dma_start3A_194 : memref<256xf32, #tpu.memory_space<vmem>>) target_semaphore(%arg12 : memref<!tpu.dma_semaphore, #tpu.memory_space<semaphore_mem>>)
    %slice3A_196 = vector.extract_strided_slice %add3A_42 {offsets = [13], sizes = [1], strides = [1]} : vector<16xi32> to vector<1xi32>
    %reshape3A_197 = vector.extract %slice3A_196[0] : i32 from vector<1xi32>
    %multiple_of3A_198 = tpu.assume_multiple %reshape3A_197, 256 : i32
    %dma_start3A_199 = arith.constant 13 : i32
    %dma_start3A_200 = arith.constant 0 : i32
    %dma_start3A_201 = tpu.memref_slice %arg7[%dma_start3A_199, %dma_start3A_200] : memref<16x256xf32, #tpu.memory_space<vmem>> -> memref<1x256xf32, #tpu.memory_space<vmem>>
    %dma_start3A_202 = tpu.memref_squeeze %dma_start3A_201 : memref<1x256xf32, #tpu.memory_space<vmem>> -> memref<256xf32, #tpu.memory_space<vmem>>
    %dma_start3A_203 = tpu.memref_slice %arg5[%multiple_of3A_198] : memref<655360xf32, #tpu.memory_space<vmem_shared>> -> memref<256xf32, #tpu.memory_space<vmem_shared>>
    %dma_start3A_204 = arith.constant 0 : i32
    %dma_start3A_205 = tpu.memref_slice %arg7[%dma_start3A_199, %dma_start3A_204] : memref<16x256xf32, #tpu.memory_space<vmem>> -> memref<1x256xf32, #tpu.memory_space<vmem>>
    %dma_start3A_206 = tpu.memref_squeeze %dma_start3A_205 : memref<1x256xf32, #tpu.memory_space<vmem>> -> memref<256xf32, #tpu.memory_space<vmem>>
    %dma_start3A_207 = tpu.memref_slice %arg5[%multiple_of3A_198] : memref<655360xf32, #tpu.memory_space<vmem_shared>> -> memref<256xf32, #tpu.memory_space<vmem_shared>>
    tpu.enqueue_dma source(%dma_start3A_207 : memref<256xf32, #tpu.memory_space<vmem_shared>>) target(%dma_start3A_206 : memref<256xf32, #tpu.memory_space<vmem>>) target_semaphore(%arg12 : memref<!tpu.dma_semaphore, #tpu.memory_space<semaphore_mem>>)
    %slice3A_208 = vector.extract_strided_slice %add3A_42 {offsets = [14], sizes = [1], strides = [1]} : vector<16xi32> to vector<1xi32>
    %reshape3A_209 = vector.extract %slice3A_208[0] : i32 from vector<1xi32>
    %multiple_of3A_210 = tpu.assume_multiple %reshape3A_209, 256 : i32
    %dma_start3A_211 = arith.constant 14 : i32
    %dma_start3A_212 = arith.constant 0 : i32
    %dma_start3A_213 = tpu.memref_slice %arg7[%dma_start3A_211, %dma_start3A_212] : memref<16x256xf32, #tpu.memory_space<vmem>> -> memref<1x256xf32, #tpu.memory_space<vmem>>
    %dma_start3A_214 = tpu.memref_squeeze %dma_start3A_213 : memref<1x256xf32, #tpu.memory_space<vmem>> -> memref<256xf32, #tpu.memory_space<vmem>>
    %dma_start3A_215 = tpu.memref_slice %arg5[%multiple_of3A_210] : memref<655360xf32, #tpu.memory_space<vmem_shared>> -> memref<256xf32, #tpu.memory_space<vmem_shared>>
    %dma_start3A_216 = arith.constant 0 : i32
    %dma_start3A_217 = tpu.memref_slice %arg7[%dma_start3A_211, %dma_start3A_216] : memref<16x256xf32, #tpu.memory_space<vmem>> -> memref<1x256xf32, #tpu.memory_space<vmem>>
    %dma_start3A_218 = tpu.memref_squeeze %dma_start3A_217 : memref<1x256xf32, #tpu.memory_space<vmem>> -> memref<256xf32, #tpu.memory_space<vmem>>
    %dma_start3A_219 = tpu.memref_slice %arg5[%multiple_of3A_210] : memref<655360xf32, #tpu.memory_space<vmem_shared>> -> memref<256xf32, #tpu.memory_space<vmem_shared>>
    tpu.enqueue_dma source(%dma_start3A_219 : memref<256xf32, #tpu.memory_space<vmem_shared>>) target(%dma_start3A_218 : memref<256xf32, #tpu.memory_space<vmem>>) target_semaphore(%arg12 : memref<!tpu.dma_semaphore, #tpu.memory_space<semaphore_mem>>)
    %slice3A_220 = vector.extract_strided_slice %add3A_42 {offsets = [15], sizes = [1], strides = [1]} : vector<16xi32> to vector<1xi32>
    %reshape3A_221 = vector.extract %slice3A_220[0] : i32 from vector<1xi32>
    %multiple_of3A_222 = tpu.assume_multiple %reshape3A_221, 256 : i32
    %dma_start3A_223 = arith.constant 15 : i32
    %dma_start3A_224 = arith.constant 0 : i32
    %dma_start3A_225 = tpu.memref_slice %arg7[%dma_start3A_223, %dma_start3A_224] : memref<16x256xf32, #tpu.memory_space<vmem>> -> memref<1x256xf32, #tpu.memory_space<vmem>>
    %dma_start3A_226 = tpu.memref_squeeze %dma_start3A_225 : memref<1x256xf32, #tpu.memory_space<vmem>> -> memref<256xf32, #tpu.memory_space<vmem>>
    %dma_start3A_227 = tpu.memref_slice %arg5[%multiple_of3A_222] : memref<655360xf32, #tpu.memory_space<vmem_shared>> -> memref<256xf32, #tpu.memory_space<vmem_shared>>
    %dma_start3A_228 = arith.constant 0 : i32
    %dma_start3A_229 = tpu.memref_slice %arg7[%dma_start3A_223, %dma_start3A_228] : memref<16x256xf32, #tpu.memory_space<vmem>> -> memref<1x256xf32, #tpu.memory_space<vmem>>
    %dma_start3A_230 = tpu.memref_squeeze %dma_start3A_229 : memref<1x256xf32, #tpu.memory_space<vmem>> -> memref<256xf32, #tpu.memory_space<vmem>>
    %dma_start3A_231 = tpu.memref_slice %arg5[%multiple_of3A_222] : memref<655360xf32, #tpu.memory_space<vmem_shared>> -> memref<256xf32, #tpu.memory_space<vmem_shared>>
    tpu.enqueue_dma source(%dma_start3A_231 : memref<256xf32, #tpu.memory_space<vmem_shared>>) target(%dma_start3A_230 : memref<256xf32, #tpu.memory_space<vmem>>) target_semaphore(%arg12 : memref<!tpu.dma_semaphore, #tpu.memory_space<semaphore_mem>>)
    %dma_wait3A_232 = arith.constant 0 : i32
    %dma_wait3A_233 = arith.constant 0 : i32
    %dma_wait3A_234 = tpu.memref_slice %arg4[%dma_wait3A_232, %dma_wait3A_233] : memref<524288x256xf32, #tpu.memory_space<hbm>> -> memref<16x256xf32, #tpu.memory_space<hbm>>
    %dma_wait3A_235 = arith.constant 0 : i32
    %dma_wait3A_236 = arith.constant 0 : i32
    %dma_wait3A_237 = tpu.memref_slice %arg4[%dma_wait3A_235, %dma_wait3A_236] : memref<524288x256xf32, #tpu.memory_space<hbm>> -> memref<16x256xf32, #tpu.memory_space<hbm>>
    tpu.wait_dma2 semaphore(%arg12 : memref<!tpu.dma_semaphore, #tpu.memory_space<semaphore_mem>>) src(%dma_wait3A_237 : memref<16x256xf32, #tpu.memory_space<hbm>>) dst(%arg7 : memref<16x256xf32, #tpu.memory_space<vmem>>)
    %add3A_238 = arith.constant 0 : i32
    %add3A_239 = arith.addi %add3A_238, %mul3A_2 : i32
    %dma_start3A_240 = arith.constant 0 : i32
    %dma_start3A_241 = tpu.memref_slice %arg4[%add3A_239, %dma_start3A_240] : memref<524288x256xf32, #tpu.memory_space<hbm>> -> memref<16x256xf32, #tpu.memory_space<hbm>>
    %dma_start3A_242 = arith.constant 0 : i32
    %dma_start3A_243 = tpu.memref_slice %arg4[%add3A_239, %dma_start3A_242] : memref<524288x256xf32, #tpu.memory_space<hbm>> -> memref<16x256xf32, #tpu.memory_space<hbm>>
    tpu.enqueue_dma source(%arg7 : memref<16x256xf32, #tpu.memory_space<vmem>>) target(%dma_start3A_243 : memref<16x256xf32, #tpu.memory_space<hbm>>) target_semaphore(%arg10 : memref<!tpu.dma_semaphore, #tpu.memory_space<semaphore_mem>>)
    %get3A_244 = arith.constant 16 : index
    %get3A_245 = tpu.vector_load %arg6[%get3A_244] {strides = array<i32>} : memref<16384xi32, #tpu.memory_space<vmem>>, vector<16xi32>,
    %mul3A_246 = arith.constant 16 : i32
    %mul3A_247 = vector.broadcast %mul3A_246 : i32 to vector<16xi32>
    %mul3A_248 = arith.muli %get3A_245, %mul3A_247 : vector<16xi32>
    %add3A_249 = arith.addi %mul3A_248, %iota3A : vector<16xi32>
    %mul3A_250 = arith.constant 256 : i32
    %mul3A_251 = vector.broadcast %mul3A_250 : i32 to vector<16xi32>
    %mul3A_252 = arith.muli %add3A_249, %mul3A_251 : vector<16xi32>
    %add3A_253 = vector.broadcast %mul3A_4 : i32 to vector<16xi32>
    %add3A_254 = arith.addi %add3A_253, %mul3A_252 : vector<16xi32>
    %slice3A_255 = vector.extract_strided_slice %add3A_254 {offsets = [0], sizes = [1], strides = [1]} : vector<16xi32> to vector<1xi32>
    %reshape3A_256 = vector.extract %slice3A_255[0] : i32 from vector<1xi32>
    %multiple_of3A_257 = tpu.assume_multiple %reshape3A_256, 256 : i32
    %dma_start3A_258 = arith.constant 0 : i32
    %dma_start3A_259 = arith.constant 0 : i32
    %dma_start3A_260 = tpu.memref_slice %arg8[%dma_start3A_258, %dma_start3A_259] : memref<16x256xf32, #tpu.memory_space<vmem>> -> memref<1x256xf32, #tpu.memory_space<vmem>>
    %dma_start3A_261 = tpu.memref_squeeze %dma_start3A_260 : memref<1x256xf32, #tpu.memory_space<vmem>> -> memref<256xf32, #tpu.memory_space<vmem>>
    %dma_start3A_262 = tpu.memref_slice %arg5[%multiple_of3A_257] : memref<655360xf32, #tpu.memory_space<vmem_shared>> -> memref<256xf32, #tpu.memory_space<vmem_shared>>
    %dma_start3A_263 = arith.constant 0 : i32
    %dma_start3A_264 = tpu.memref_slice %arg8[%dma_start3A_258, %dma_start3A_263] : memref<16x256xf32, #tpu.memory_space<vmem>> -> memref<1x256xf32, #tpu.memory_space<vmem>>
    %dma_start3A_265 = tpu.memref_squeeze %dma_start3A_264 : memref<1x256xf32, #tpu.memory_space<vmem>> -> memref<256xf32, #tpu.memory_space<vmem>>
    %dma_start3A_266 = tpu.memref_slice %arg5[%multiple_of3A_257] : memref<655360xf32, #tpu.memory_space<vmem_shared>> -> memref<256xf32, #tpu.memory_space<vmem_shared>>
    tpu.enqueue_dma source(%dma_start3A_266 : memref<256xf32, #tpu.memory_space<vmem_shared>>) target(%dma_start3A_265 : memref<256xf32, #tpu.memory_space<vmem>>) target_semaphore(%arg12 : memref<!tpu.dma_semaphore, #tpu.memory_space<semaphore_mem>>)
    %slice3A_267 = vector.extract_strided_slice %add3A_254 {offsets = [1], sizes = [1], strides = [1]} : vector<16xi32> to vector<1xi32>
    %reshape3A_268 = vector.extract %slice3A_267[0] : i32 from vector<1xi32>
    %multiple_of3A_269 = tpu.assume_multiple %reshape3A_268, 256 : i32
    %dma_start3A_270 = arith.constant 1 : i32
    %dma_start3A_271 = arith.constant 0 : i32
    %dma_start3A_272 = tpu.memref_slice %arg8[%dma_start3A_270, %dma_start3A_271] : memref<16x256xf32, #tpu.memory_space<vmem>> -> memref<1x256xf32, #tpu.memory_space<vmem>>
    %dma_start3A_273 = tpu.memref_squeeze %dma_start3A_272 : memref<1x256xf32, #tpu.memory_space<vmem>> -> memref<256xf32, #tpu.memory_space<vmem>>
    %dma_start3A_274 = tpu.memref_slice %arg5[%multiple_of3A_269] : memref<655360xf32, #tpu.memory_space<vmem_shared>> -> memref<256xf32, #tpu.memory_space<vmem_shared>>
    %dma_start3A_275 = arith.constant 0 : i32
    %dma_start3A_276 = tpu.memref_slice %arg8[%dma_start3A_270, %dma_start3A_275] : memref<16x256xf32, #tpu.memory_space<vmem>> -> memref<1x256xf32, #tpu.memory_space<vmem>>
    %dma_start3A_277 = tpu.memref_squeeze %dma_start3A_276 : memref<1x256xf32, #tpu.memory_space<vmem>> -> memref<256xf32, #tpu.memory_space<vmem>>
    %dma_start3A_278 = tpu.memref_slice %arg5[%multiple_of3A_269] : memref<655360xf32, #tpu.memory_space<vmem_shared>> -> memref<256xf32, #tpu.memory_space<vmem_shared>>
    tpu.enqueue_dma source(%dma_start3A_278 : memref<256xf32, #tpu.memory_space<vmem_shared>>) target(%dma_start3A_277 : memref<256xf32, #tpu.memory_space<vmem>>) target_semaphore(%arg12 : memref<!tpu.dma_semaphore, #tpu.memory_space<semaphore_mem>>)
    %slice3A_279 = vector.extract_strided_slice %add3A_254 {offsets = [2], sizes = [1], strides = [1]} : vector<16xi32> to vector<1xi32>
    %reshape3A_280 = vector.extract %slice3A_279[0] : i32 from vector<1xi32>
    %multiple_of3A_281 = tpu.assume_multiple %reshape3A_280, 256 : i32
    %dma_start3A_282 = arith.constant 2 : i32
    %dma_start3A_283 = arith.constant 0 : i32
    %dma_start3A_284 = tpu.memref_slice %arg8[%dma_start3A_282, %dma_start3A_283] : memref<16x256xf32, #tpu.memory_space<vmem>> -> memref<1x256xf32, #tpu.memory_space<vmem>>
    %dma_start3A_285 = tpu.memref_squeeze %dma_start3A_284 : memref<1x256xf32, #tpu.memory_space<vmem>> -> memref<256xf32, #tpu.memory_space<vmem>>
    %dma_start3A_286 = tpu.memref_slice %arg5[%multiple_of3A_281] : memref<655360xf32, #tpu.memory_space<vmem_shared>> -> memref<256xf32, #tpu.memory_space<vmem_shared>>
    %dma_start3A_287 = arith.constant 0 : i32
    %dma_start3A_288 = tpu.memref_slice %arg8[%dma_start3A_282, %dma_start3A_287] : memref<16x256xf32, #tpu.memory_space<vmem>> -> memref<1x256xf32, #tpu.memory_space<vmem>>
    %dma_start3A_289 = tpu.memref_squeeze %dma_start3A_288 : memref<1x256xf32, #tpu.memory_space<vmem>> -> memref<256xf32, #tpu.memory_space<vmem>>
    %dma_start3A_290 = tpu.memref_slice %arg5[%multiple_of3A_281] : memref<655360xf32, #tpu.memory_space<vmem_shared>> -> memref<256xf32, #tpu.memory_space<vmem_shared>>
    tpu.enqueue_dma source(%dma_start3A_290 : memref<256xf32, #tpu.memory_space<vmem_shared>>) target(%dma_start3A_289 : memref<256xf32, #tpu.memory_space<vmem>>) target_semaphore(%arg12 : memref<!tpu.dma_semaphore, #tpu.memory_space<semaphore_mem>>)
    %slice3A_291 = vector.extract_strided_slice %add3A_254 {offsets = [3], sizes = [1], strides = [1]} : vector<16xi32> to vector<1xi32>
    %reshape3A_292 = vector.extract %slice3A_291[0] : i32 from vector<1xi32>
    %multiple_of3A_293 = tpu.assume_multiple %reshape3A_292, 256 : i32
    %dma_start3A_294 = arith.constant 3 : i32
    %dma_start3A_295 = arith.constant 0 : i32
    %dma_start3A_296 = tpu.memref_slice %arg8[%dma_start3A_294, %dma_start3A_295] : memref<16x256xf32, #tpu.memory_space<vmem>> -> memref<1x256xf32, #tpu.memory_space<vmem>>
    %dma_start3A_297 = tpu.memref_squeeze %dma_start3A_296 : memref<1x256xf32, #tpu.memory_space<vmem>> -> memref<256xf32, #tpu.memory_space<vmem>>
    %dma_start3A_298 = tpu.memref_slice %arg5[%multiple_of3A_293] : memref<655360xf32, #tpu.memory_space<vmem_shared>> -> memref<256xf32, #tpu.memory_space<vmem_shared>>
    %dma_start3A_299 = arith.constant 0 : i32
    %dma_start3A_300 = tpu.memref_slice %arg8[%dma_start3A_294, %dma_start3A_299] : memref<16x256xf32, #tpu.memory_space<vmem>> -> memref<1x256xf32, #tpu.memory_space<vmem>>
    %dma_start3A_301 = tpu.memref_squeeze %dma_start3A_300 : memref<1x256xf32, #tpu.memory_space<vmem>> -> memref<256xf32, #tpu.memory_space<vmem>>
    %dma_start3A_302 = tpu.memref_slice %arg5[%multiple_of3A_293] : memref<655360xf32, #tpu.memory_space<vmem_shared>> -> memref<256xf32, #tpu.memory_space<vmem_shared>>
    tpu.enqueue_dma source(%dma_start3A_302 : memref<256xf32, #tpu.memory_space<vmem_shared>>) target(%dma_start3A_301 : memref<256xf32, #tpu.memory_space<vmem>>) target_semaphore(%arg12 : memref<!tpu.dma_semaphore, #tpu.memory_space<semaphore_mem>>)
    %slice3A_303 = vector.extract_strided_slice %add3A_254 {offsets = [4], sizes = [1], strides = [1]} : vector<16xi32> to vector<1xi32>
    %reshape3A_304 = vector.extract %slice3A_303[0] : i32 from vector<1xi32>
    %multiple_of3A_305 = tpu.assume_multiple %reshape3A_304, 256 : i32
    %dma_start3A_306 = arith.constant 4 : i32
    %dma_start3A_307 = arith.constant 0 : i32
    %dma_start3A_308 = tpu.memref_slice %arg8[%dma_start3A_306, %dma_start3A_307] : memref<16x256xf32, #tpu.memory_space<vmem>> -> memref<1x256xf32, #tpu.memory_space<vmem>>
    %dma_start3A_309 = tpu.memref_squeeze %dma_start3A_308 : memref<1x256xf32, #tpu.memory_space<vmem>> -> memref<256xf32, #tpu.memory_space<vmem>>
    %dma_start3A_310 = tpu.memref_slice %arg5[%multiple_of3A_305] : memref<655360xf32, #tpu.memory_space<vmem_shared>> -> memref<256xf32, #tpu.memory_space<vmem_shared>>
    %dma_start3A_311 = arith.constant 0 : i32
    %dma_start3A_312 = tpu.memref_slice %arg8[%dma_start3A_306, %dma_start3A_311] : memref<16x256xf32, #tpu.memory_space<vmem>> -> memref<1x256xf32, #tpu.memory_space<vmem>>
    %dma_start3A_313 = tpu.memref_squeeze %dma_start3A_312 : memref<1x256xf32, #tpu.memory_space<vmem>> -> memref<256xf32, #tpu.memory_space<vmem>>
    %dma_start3A_314 = tpu.memref_slice %arg5[%multiple_of3A_305] : memref<655360xf32, #tpu.memory_space<vmem_shared>> -> memref<256xf32, #tpu.memory_space<vmem_shared>>
    tpu.enqueue_dma source(%dma_start3A_314 : memref<256xf32, #tpu.memory_space<vmem_shared>>) target(%dma_start3A_313 : memref<256xf32, #tpu.memory_space<vmem>>) target_semaphore(%arg12 : memref<!tpu.dma_semaphore, #tpu.memory_space<semaphore_mem>>)
    %slice3A_315 = vector.extract_strided_slice %add3A_254 {offsets = [5], sizes = [1], strides = [1]} : vector<16xi32> to vector<1xi32>
    %reshape3A_316 = vector.extract %slice3A_315[0] : i32 from vector<1xi32>
    %multiple_of3A_317 = tpu.assume_multiple %reshape3A_316, 256 : i32
    %dma_start3A_318 = arith.constant 5 : i32
    %dma_start3A_319 = arith.constant 0 : i32
    %dma_start3A_320 = tpu.memref_slice %arg8[%dma_start3A_318, %dma_start3A_319] : memref<16x256xf32, #tpu.memory_space<vmem>> -> memref<1x256xf32, #tpu.memory_space<vmem>>
    %dma_start3A_321 = tpu.memref_squeeze %dma_start3A_320 : memref<1x256xf32, #tpu.memory_space<vmem>> -> memref<256xf32, #tpu.memory_space<vmem>>
    %dma_start3A_322 = tpu.memref_slice %arg5[%multiple_of3A_317] : memref<655360xf32, #tpu.memory_space<vmem_shared>> -> memref<256xf32, #tpu.memory_space<vmem_shared>>
    %dma_start3A_323 = arith.constant 0 : i32
    %dma_start3A_324 = tpu.memref_slice %arg8[%dma_start3A_318, %dma_start3A_323] : memref<16x256xf32, #tpu.memory_space<vmem>> -> memref<1x256xf32, #tpu.memory_space<vmem>>
    %dma_start3A_325 = tpu.memref_squeeze %dma_start3A_324 : memref<1x256xf32, #tpu.memory_space<vmem>> -> memref<256xf32, #tpu.memory_space<vmem>>
    %dma_start3A_326 = tpu.memref_slice %arg5[%multiple_of3A_317] : memref<655360xf32, #tpu.memory_space<vmem_shared>> -> memref<256xf32, #tpu.memory_space<vmem_shared>>
    tpu.enqueue_dma source(%dma_start3A_326 : memref<256xf32, #tpu.memory_space<vmem_shared>>) target(%dma_start3A_325 : memref<256xf32, #tpu.memory_space<vmem>>) target_semaphore(%arg12 : memref<!tpu.dma_semaphore, #tpu.memory_space<semaphore_mem>>)
    %slice3A_327 = vector.extract_strided_slice %add3A_254 {offsets = [6], sizes = [1], strides = [1]} : vector<16xi32> to vector<1xi32>
    %reshape3A_328 = vector.extract %slice3A_327[0] : i32 from vector<1xi32>
    %multiple_of3A_329 = tpu.assume_multiple %reshape3A_328, 256 : i32
    %dma_start3A_330 = arith.constant 6 : i32
    %dma_start3A_331 = arith.constant 0 : i32
    %dma_start3A_332 = tpu.memref_slice %arg8[%dma_start3A_330, %dma_start3A_331] : memref<16x256xf32, #tpu.memory_space<vmem>> -> memref<1x256xf32, #tpu.memory_space<vmem>>
    %dma_start3A_333 = tpu.memref_squeeze %dma_start3A_332 : memref<1x256xf32, #tpu.memory_space<vmem>> -> memref<256xf32, #tpu.memory_space<vmem>>
    %dma_start3A_334 = tpu.memref_slice %arg5[%multiple_of3A_329] : memref<655360xf32, #tpu.memory_space<vmem_shared>> -> memref<256xf32, #tpu.memory_space<vmem_shared>>
    %dma_start3A_335 = arith.constant 0 : i32
    %dma_start3A_336 = tpu.memref_slice %arg8[%dma_start3A_330, %dma_start3A_335] : memref<16x256xf32, #tpu.memory_space<vmem>> -> memref<1x256xf32, #tpu.memory_space<vmem>>
    %dma_start3A_337 = tpu.memref_squeeze %dma_start3A_336 : memref<1x256xf32, #tpu.memory_space<vmem>> -> memref<256xf32, #tpu.memory_space<vmem>>
    %dma_start3A_338 = tpu.memref_slice %arg5[%multiple_of3A_329] : memref<655360xf32, #tpu.memory_space<vmem_shared>> -> memref<256xf32, #tpu.memory_space<vmem_shared>>
    tpu.enqueue_dma source(%dma_start3A_338 : memref<256xf32, #tpu.memory_space<vmem_shared>>) target(%dma_start3A_337 : memref<256xf32, #tpu.memory_space<vmem>>) target_semaphore(%arg12 : memref<!tpu.dma_semaphore, #tpu.memory_space<semaphore_mem>>)
    %slice3A_339 = vector.extract_strided_slice %add3A_254 {offsets = [7], sizes = [1], strides = [1]} : vector<16xi32> to vector<1xi32>
    %reshape3A_340 = vector.extract %slice3A_339[0] : i32 from vector<1xi32>
    %multiple_of3A_341 = tpu.assume_multiple %reshape3A_340, 256 : i32
    %dma_start3A_342 = arith.constant 7 : i32
    %dma_start3A_343 = arith.constant 0 : i32
    %dma_start3A_344 = tpu.memref_slice %arg8[%dma_start3A_342, %dma_start3A_343] : memref<16x256xf32, #tpu.memory_space<vmem>> -> memref<1x256xf32, #tpu.memory_space<vmem>>
    %dma_start3A_345 = tpu.memref_squeeze %dma_start3A_344 : memref<1x256xf32, #tpu.memory_space<vmem>> -> memref<256xf32, #tpu.memory_space<vmem>>
    %dma_start3A_346 = tpu.memref_slice %arg5[%multiple_of3A_341] : memref<655360xf32, #tpu.memory_space<vmem_shared>> -> memref<256xf32, #tpu.memory_space<vmem_shared>>
    %dma_start3A_347 = arith.constant 0 : i32
    %dma_start3A_348 = tpu.memref_slice %arg8[%dma_start3A_342, %dma_start3A_347] : memref<16x256xf32, #tpu.memory_space<vmem>> -> memref<1x256xf32, #tpu.memory_space<vmem>>
    %dma_start3A_349 = tpu.memref_squeeze %dma_start3A_348 : memref<1x256xf32, #tpu.memory_space<vmem>> -> memref<256xf32, #tpu.memory_space<vmem>>
    %dma_start3A_350 = tpu.memref_slice %arg5[%multiple_of3A_341] : memref<655360xf32, #tpu.memory_space<vmem_shared>> -> memref<256xf32, #tpu.memory_space<vmem_shared>>
    tpu.enqueue_dma source(%dma_start3A_350 : memref<256xf32, #tpu.memory_space<vmem_shared>>) target(%dma_start3A_349 : memref<256xf32, #tpu.memory_space<vmem>>) target_semaphore(%arg12 : memref<!tpu.dma_semaphore, #tpu.memory_space<semaphore_mem>>)
    %slice3A_351 = vector.extract_strided_slice %add3A_254 {offsets = [8], sizes = [1], strides = [1]} : vector<16xi32> to vector<1xi32>
    %reshape3A_352 = vector.extract %slice3A_351[0] : i32 from vector<1xi32>
    %multiple_of3A_353 = tpu.assume_multiple %reshape3A_352, 256 : i32
    %dma_start3A_354 = arith.constant 8 : i32
    %dma_start3A_355 = arith.constant 0 : i32
    %dma_start3A_356 = tpu.memref_slice %arg8[%dma_start3A_354, %dma_start3A_355] : memref<16x256xf32, #tpu.memory_space<vmem>> -> memref<1x256xf32, #tpu.memory_space<vmem>>
    %dma_start3A_357 = tpu.memref_squeeze %dma_start3A_356 : memref<1x256xf32, #tpu.memory_space<vmem>> -> memref<256xf32, #tpu.memory_space<vmem>>
    %dma_start3A_358 = tpu.memref_slice %arg5[%multiple_of3A_353] : memref<655360xf32, #tpu.memory_space<vmem_shared>> -> memref<256xf32, #tpu.memory_space<vmem_shared>>
    %dma_start3A_359 = arith.constant 0 : i32
    %dma_start3A_360 = tpu.memref_slice %arg8[%dma_start3A_354, %dma_start3A_359] : memref<16x256xf32, #tpu.memory_space<vmem>> -> memref<1x256xf32, #tpu.memory_space<vmem>>
    %dma_start3A_361 = tpu.memref_squeeze %dma_start3A_360 : memref<1x256xf32, #tpu.memory_space<vmem>> -> memref<256xf32, #tpu.memory_space<vmem>>
    %dma_start3A_362 = tpu.memref_slice %arg5[%multiple_of3A_353] : memref<655360xf32, #tpu.memory_space<vmem_shared>> -> memref<256xf32, #tpu.memory_space<vmem_shared>>
    tpu.enqueue_dma source(%dma_start3A_362 : memref<256xf32, #tpu.memory_space<vmem_shared>>) target(%dma_start3A_361 : memref<256xf32, #tpu.memory_space<vmem>>) target_semaphore(%arg12 : memref<!tpu.dma_semaphore, #tpu.memory_space<semaphore_mem>>)
    %slice3A_363 = vector.extract_strided_slice %add3A_254 {offsets = [9], sizes = [1], strides = [1]} : vector<16xi32> to vector<1xi32>
    %reshape3A_364 = vector.extract %slice3A_363[0] : i32 from vector<1xi32>
    %multiple_of3A_365 = tpu.assume_multiple %reshape3A_364, 256 : i32
    %dma_start3A_366 = arith.constant 9 : i32
    %dma_start3A_367 = arith.constant 0 : i32
    %dma_start3A_368 = tpu.memref_slice %arg8[%dma_start3A_366, %dma_start3A_367] : memref<16x256xf32, #tpu.memory_space<vmem>> -> memref<1x256xf32, #tpu.memory_space<vmem>>
    %dma_start3A_369 = tpu.memref_squeeze %dma_start3A_368 : memref<1x256xf32, #tpu.memory_space<vmem>> -> memref<256xf32, #tpu.memory_space<vmem>>
    %dma_start3A_370 = tpu.memref_slice %arg5[%multiple_of3A_365] : memref<655360xf32, #tpu.memory_space<vmem_shared>> -> memref<256xf32, #tpu.memory_space<vmem_shared>>
    %dma_start3A_371 = arith.constant 0 : i32
    %dma_start3A_372 = tpu.memref_slice %arg8[%dma_start3A_366, %dma_start3A_371] : memref<16x256xf32, #tpu.memory_space<vmem>> -> memref<1x256xf32, #tpu.memory_space<vmem>>
    %dma_start3A_373 = tpu.memref_squeeze %dma_start3A_372 : memref<1x256xf32, #tpu.memory_space<vmem>> -> memref<256xf32, #tpu.memory_space<vmem>>
    %dma_start3A_374 = tpu.memref_slice %arg5[%multiple_of3A_365] : memref<655360xf32, #tpu.memory_space<vmem_shared>> -> memref<256xf32, #tpu.memory_space<vmem_shared>>
    tpu.enqueue_dma source(%dma_start3A_374 : memref<256xf32, #tpu.memory_space<vmem_shared>>) target(%dma_start3A_373 : memref<256xf32, #tpu.memory_space<vmem>>) target_semaphore(%arg12 : memref<!tpu.dma_semaphore, #tpu.memory_space<semaphore_mem>>)
    %slice3A_375 = vector.extract_strided_slice %add3A_254 {offsets = [10], sizes = [1], strides = [1]} : vector<16xi32> to vector<1xi32>
    %reshape3A_376 = vector.extract %slice3A_375[0] : i32 from vector<1xi32>
    %multiple_of3A_377 = tpu.assume_multiple %reshape3A_376, 256 : i32
    %dma_start3A_378 = arith.constant 10 : i32
    %dma_start3A_379 = arith.constant 0 : i32
    %dma_start3A_380 = tpu.memref_slice %arg8[%dma_start3A_378, %dma_start3A_379] : memref<16x256xf32, #tpu.memory_space<vmem>> -> memref<1x256xf32, #tpu.memory_space<vmem>>
    %dma_start3A_381 = tpu.memref_squeeze %dma_start3A_380 : memref<1x256xf32, #tpu.memory_space<vmem>> -> memref<256xf32, #tpu.memory_space<vmem>>
    %dma_start3A_382 = tpu.memref_slice %arg5[%multiple_of3A_377] : memref<655360xf32, #tpu.memory_space<vmem_shared>> -> memref<256xf32, #tpu.memory_space<vmem_shared>>
    %dma_start3A_383 = arith.constant 0 : i32
    %dma_start3A_384 = tpu.memref_slice %arg8[%dma_start3A_378, %dma_start3A_383] : memref<16x256xf32, #tpu.memory_space<vmem>> -> memref<1x256xf32, #tpu.memory_space<vmem>>
    %dma_start3A_385 = tpu.memref_squeeze %dma_start3A_384 : memref<1x256xf32, #tpu.memory_space<vmem>> -> memref<256xf32, #tpu.memory_space<vmem>>
    %dma_start3A_386 = tpu.memref_slice %arg5[%multiple_of3A_377] : memref<655360xf32, #tpu.memory_space<vmem_shared>> -> memref<256xf32, #tpu.memory_space<vmem_shared>>
    tpu.enqueue_dma source(%dma_start3A_386 : memref<256xf32, #tpu.memory_space<vmem_shared>>) target(%dma_start3A_385 : memref<256xf32, #tpu.memory_space<vmem>>) target_semaphore(%arg12 : memref<!tpu.dma_semaphore, #tpu.memory_space<semaphore_mem>>)
    %slice3A_387 = vector.extract_strided_slice %add3A_254 {offsets = [11], sizes = [1], strides = [1]} : vector<16xi32> to vector<1xi32>
    %reshape3A_388 = vector.extract %slice3A_387[0] : i32 from vector<1xi32>
    %multiple_of3A_389 = tpu.assume_multiple %reshape3A_388, 256 : i32
    %dma_start3A_390 = arith.constant 11 : i32
    %dma_start3A_391 = arith.constant 0 : i32
    %dma_start3A_392 = tpu.memref_slice %arg8[%dma_start3A_390, %dma_start3A_391] : memref<16x256xf32, #tpu.memory_space<vmem>> -> memref<1x256xf32, #tpu.memory_space<vmem>>
    %dma_start3A_393 = tpu.memref_squeeze %dma_start3A_392 : memref<1x256xf32, #tpu.memory_space<vmem>> -> memref<256xf32, #tpu.memory_space<vmem>>
    %dma_start3A_394 = tpu.memref_slice %arg5[%multiple_of3A_389] : memref<655360xf32, #tpu.memory_space<vmem_shared>> -> memref<256xf32, #tpu.memory_space<vmem_shared>>
    %dma_start3A_395 = arith.constant 0 : i32
    %dma_start3A_396 = tpu.memref_slice %arg8[%dma_start3A_390, %dma_start3A_395] : memref<16x256xf32, #tpu.memory_space<vmem>> -> memref<1x256xf32, #tpu.memory_space<vmem>>
    %dma_start3A_397 = tpu.memref_squeeze %dma_start3A_396 : memref<1x256xf32, #tpu.memory_space<vmem>> -> memref<256xf32, #tpu.memory_space<vmem>>
    %dma_start3A_398 = tpu.memref_slice %arg5[%multiple_of3A_389] : memref<655360xf32, #tpu.memory_space<vmem_shared>> -> memref<256xf32, #tpu.memory_space<vmem_shared>>
    tpu.enqueue_dma source(%dma_start3A_398 : memref<256xf32, #tpu.memory_space<vmem_shared>>) target(%dma_start3A_397 : memref<256xf32, #tpu.memory_space<vmem>>) target_semaphore(%arg12 : memref<!tpu.dma_semaphore, #tpu.memory_space<semaphore_mem>>)
    %slice3A_399 = vector.extract_strided_slice %add3A_254 {offsets = [12], sizes = [1], strides = [1]} : vector<16xi32> to vector<1xi32>
    %reshape3A_400 = vector.extract %slice3A_399[0] : i32 from vector<1xi32>
    %multiple_of3A_401 = tpu.assume_multiple %reshape3A_400, 256 : i32
    %dma_start3A_402 = arith.constant 12 : i32
    %dma_start3A_403 = arith.constant 0 : i32
    %dma_start3A_404 = tpu.memref_slice %arg8[%dma_start3A_402, %dma_start3A_403] : memref<16x256xf32, #tpu.memory_space<vmem>> -> memref<1x256xf32, #tpu.memory_space<vmem>>
    %dma_start3A_405 = tpu.memref_squeeze %dma_start3A_404 : memref<1x256xf32, #tpu.memory_space<vmem>> -> memref<256xf32, #tpu.memory_space<vmem>>
    %dma_start3A_406 = tpu.memref_slice %arg5[%multiple_of3A_401] : memref<655360xf32, #tpu.memory_space<vmem_shared>> -> memref<256xf32, #tpu.memory_space<vmem_shared>>
    %dma_start3A_407 = arith.constant 0 : i32
    %dma_start3A_408 = tpu.memref_slice %arg8[%dma_start3A_402, %dma_start3A_407] : memref<16x256xf32, #tpu.memory_space<vmem>> -> memref<1x256xf32, #tpu.memory_space<vmem>>
    %dma_start3A_409 = tpu.memref_squeeze %dma_start3A_408 : memref<1x256xf32, #tpu.memory_space<vmem>> -> memref<256xf32, #tpu.memory_space<vmem>>
    %dma_start3A_410 = tpu.memref_slice %arg5[%multiple_of3A_401] : memref<655360xf32, #tpu.memory_space<vmem_shared>> -> memref<256xf32, #tpu.memory_space<vmem_shared>>
    tpu.enqueue_dma source(%dma_start3A_410 : memref<256xf32, #tpu.memory_space<vmem_shared>>) target(%dma_start3A_409 : memref<256xf32, #tpu.memory_space<vmem>>) target_semaphore(%arg12 : memref<!tpu.dma_semaphore, #tpu.memory_space<semaphore_mem>>)
    %slice3A_411 = vector.extract_strided_slice %add3A_254 {offsets = [13], sizes = [1], strides = [1]} : vector<16xi32> to vector<1xi32>
    %reshape3A_412 = vector.extract %slice3A_411[0] : i32 from vector<1xi32>
    %multiple_of3A_413 = tpu.assume_multiple %reshape3A_412, 256 : i32
    %dma_start3A_414 = arith.constant 13 : i32
    %dma_start3A_415 = arith.constant 0 : i32
    %dma_start3A_416 = tpu.memref_slice %arg8[%dma_start3A_414, %dma_start3A_415] : memref<16x256xf32, #tpu.memory_space<vmem>> -> memref<1x256xf32, #tpu.memory_space<vmem>>
    %dma_start3A_417 = tpu.memref_squeeze %dma_start3A_416 : memref<1x256xf32, #tpu.memory_space<vmem>> -> memref<256xf32, #tpu.memory_space<vmem>>
    %dma_start3A_418 = tpu.memref_slice %arg5[%multiple_of3A_413] : memref<655360xf32, #tpu.memory_space<vmem_shared>> -> memref<256xf32, #tpu.memory_space<vmem_shared>>
    %dma_start3A_419 = arith.constant 0 : i32
    %dma_start3A_420 = tpu.memref_slice %arg8[%dma_start3A_414, %dma_start3A_419] : memref<16x256xf32, #tpu.memory_space<vmem>> -> memref<1x256xf32, #tpu.memory_space<vmem>>
    %dma_start3A_421 = tpu.memref_squeeze %dma_start3A_420 : memref<1x256xf32, #tpu.memory_space<vmem>> -> memref<256xf32, #tpu.memory_space<vmem>>
    %dma_start3A_422 = tpu.memref_slice %arg5[%multiple_of3A_413] : memref<655360xf32, #tpu.memory_space<vmem_shared>> -> memref<256xf32, #tpu.memory_space<vmem_shared>>
    tpu.enqueue_dma source(%dma_start3A_422 : memref<256xf32, #tpu.memory_space<vmem_shared>>) target(%dma_start3A_421 : memref<256xf32, #tpu.memory_space<vmem>>) target_semaphore(%arg12 : memref<!tpu.dma_semaphore, #tpu.memory_space<semaphore_mem>>)
    %slice3A_423 = vector.extract_strided_slice %add3A_254 {offsets = [14], sizes = [1], strides = [1]} : vector<16xi32> to vector<1xi32>
    %reshape3A_424 = vector.extract %slice3A_423[0] : i32 from vector<1xi32>
    %multiple_of3A_425 = tpu.assume_multiple %reshape3A_424, 256 : i32
    %dma_start3A_426 = arith.constant 14 : i32
    %dma_start3A_427 = arith.constant 0 : i32
    %dma_start3A_428 = tpu.memref_slice %arg8[%dma_start3A_426, %dma_start3A_427] : memref<16x256xf32, #tpu.memory_space<vmem>> -> memref<1x256xf32, #tpu.memory_space<vmem>>
    %dma_start3A_429 = tpu.memref_squeeze %dma_start3A_428 : memref<1x256xf32, #tpu.memory_space<vmem>> -> memref<256xf32, #tpu.memory_space<vmem>>
    %dma_start3A_430 = tpu.memref_slice %arg5[%multiple_of3A_425] : memref<655360xf32, #tpu.memory_space<vmem_shared>> -> memref<256xf32, #tpu.memory_space<vmem_shared>>
    %dma_start3A_431 = arith.constant 0 : i32
    %dma_start3A_432 = tpu.memref_slice %arg8[%dma_start3A_426, %dma_start3A_431] : memref<16x256xf32, #tpu.memory_space<vmem>> -> memref<1x256xf32, #tpu.memory_space<vmem>>
    %dma_start3A_433 = tpu.memref_squeeze %dma_start3A_432 : memref<1x256xf32, #tpu.memory_space<vmem>> -> memref<256xf32, #tpu.memory_space<vmem>>
    %dma_start3A_434 = tpu.memref_slice %arg5[%multiple_of3A_425] : memref<655360xf32, #tpu.memory_space<vmem_shared>> -> memref<256xf32, #tpu.memory_space<vmem_shared>>
    tpu.enqueue_dma source(%dma_start3A_434 : memref<256xf32, #tpu.memory_space<vmem_shared>>) target(%dma_start3A_433 : memref<256xf32, #tpu.memory_space<vmem>>) target_semaphore(%arg12 : memref<!tpu.dma_semaphore, #tpu.memory_space<semaphore_mem>>)
    %slice3A_435 = vector.extract_strided_slice %add3A_254 {offsets = [15], sizes = [1], strides = [1]} : vector<16xi32> to vector<1xi32>
    %reshape3A_436 = vector.extract %slice3A_435[0] : i32 from vector<1xi32>
    %multiple_of3A_437 = tpu.assume_multiple %reshape3A_436, 256 : i32
    %dma_start3A_438 = arith.constant 15 : i32
    %dma_start3A_439 = arith.constant 0 : i32
    %dma_start3A_440 = tpu.memref_slice %arg8[%dma_start3A_438, %dma_start3A_439] : memref<16x256xf32, #tpu.memory_space<vmem>> -> memref<1x256xf32, #tpu.memory_space<vmem>>
    %dma_start3A_441 = tpu.memref_squeeze %dma_start3A_440 : memref<1x256xf32, #tpu.memory_space<vmem>> -> memref<256xf32, #tpu.memory_space<vmem>>
    %dma_start3A_442 = tpu.memref_slice %arg5[%multiple_of3A_437] : memref<655360xf32, #tpu.memory_space<vmem_shared>> -> memref<256xf32, #tpu.memory_space<vmem_shared>>
    %dma_start3A_443 = arith.constant 0 : i32
    %dma_start3A_444 = tpu.memref_slice %arg8[%dma_start3A_438, %dma_start3A_443] : memref<16x256xf32, #tpu.memory_space<vmem>> -> memref<1x256xf32, #tpu.memory_space<vmem>>
    %dma_start3A_445 = tpu.memref_squeeze %dma_start3A_444 : memref<1x256xf32, #tpu.memory_space<vmem>> -> memref<256xf32, #tpu.memory_space<vmem>>
    %dma_start3A_446 = tpu.memref_slice %arg5[%multiple_of3A_437] : memref<655360xf32, #tpu.memory_space<vmem_shared>> -> memref<256xf32, #tpu.memory_space<vmem_shared>>
    tpu.enqueue_dma source(%dma_start3A_446 : memref<256xf32, #tpu.memory_space<vmem_shared>>) target(%dma_start3A_445 : memref<256xf32, #tpu.memory_space<vmem>>) target_semaphore(%arg12 : memref<!tpu.dma_semaphore, #tpu.memory_space<semaphore_mem>>)
    %dma_wait3A_447 = arith.constant 0 : i32
    %dma_wait3A_448 = arith.constant 0 : i32
    %dma_wait3A_449 = tpu.memref_slice %arg4[%dma_wait3A_447, %dma_wait3A_448] : memref<524288x256xf32, #tpu.memory_space<hbm>> -> memref<16x256xf32, #tpu.memory_space<hbm>>
    %dma_wait3A_450 = arith.constant 0 : i32
    %dma_wait3A_451 = arith.constant 0 : i32
    %dma_wait3A_452 = tpu.memref_slice %arg4[%dma_wait3A_450, %dma_wait3A_451] : memref<524288x256xf32, #tpu.memory_space<hbm>> -> memref<16x256xf32, #tpu.memory_space<hbm>>
    tpu.wait_dma2 semaphore(%arg12 : memref<!tpu.dma_semaphore, #tpu.memory_space<semaphore_mem>>) src(%dma_wait3A_452 : memref<16x256xf32, #tpu.memory_space<hbm>>) dst(%arg8 : memref<16x256xf32, #tpu.memory_space<vmem>>)
    %add3A_453 = arith.constant 512 : i32
    %add3A_454 = arith.addi %add3A_453, %mul3A_2 : i32
    %dma_start3A_455 = arith.constant 0 : i32
    %dma_start3A_456 = tpu.memref_slice %arg4[%add3A_454, %dma_start3A_455] : memref<524288x256xf32, #tpu.memory_space<hbm>> -> memref<16x256xf32, #tpu.memory_space<hbm>>
    %dma_start3A_457 = arith.constant 0 : i32
    %dma_start3A_458 = tpu.memref_slice %arg4[%add3A_454, %dma_start3A_457] : memref<524288x256xf32, #tpu.memory_space<hbm>> -> memref<16x256xf32, #tpu.memory_space<hbm>>
    tpu.enqueue_dma source(%arg8 : memref<16x256xf32, #tpu.memory_space<vmem>>) target(%dma_start3A_458 : memref<16x256xf32, #tpu.memory_space<hbm>>) target_semaphore(%arg11 : memref<!tpu.dma_semaphore, #tpu.memory_space<semaphore_mem>>)
    %scan3A = arith.constant 0 : i32
    %scan3A_459 = arith.constant 1 : i32
    %scan3A_460 = arith.constant 511 : i32
    %scan3A_461 = arith.addi %scan3A_459, %scan3A_460 : i32
    %scan3A_462 = arith.constant 1 : i32
    %scan3A_463 = scf.for %scan3A_477 = %scan3A_459 to %scan3A_461 step %scan3A_462 iter_args(%scan3A_478 = %scan3A) -> (i32)  : i32 {
      %mul3A_479 = arith.constant 2 : i32
      %mul3A_480 = arith.muli %scan3A_477, %mul3A_479 : i32
      %add3A_481 = arith.constant 0 : i32
      %add3A_482 = arith.addi %mul3A_480, %add3A_481 : i32
      %sub3A = arith.constant 2 : i32
      %sub3A_483 = arith.subi %add3A_482, %sub3A : i32
      %mul3A_484 = arith.constant 512 : i32
      %mul3A_485 = arith.muli %sub3A_483, %mul3A_484 : i32
      %add3A_486 = arith.addi %mul3A_485, %mul3A_2 : i32
      %dma_wait3A_487 = arith.constant 0 : i32
      %dma_wait3A_488 = tpu.memref_slice %arg4[%add3A_486, %dma_wait3A_487] : memref<524288x256xf32, #tpu.memory_space<hbm>> -> memref<16x256xf32, #tpu.memory_space<hbm>>
      %dma_wait3A_489 = arith.constant 0 : i32
      %dma_wait3A_490 = tpu.memref_slice %arg4[%add3A_486, %dma_wait3A_489] : memref<524288x256xf32, #tpu.memory_space<hbm>> -> memref<16x256xf32, #tpu.memory_space<hbm>>
      tpu.wait_dma2 semaphore(%arg10 : memref<!tpu.dma_semaphore, #tpu.memory_space<semaphore_mem>>) src(%arg7 : memref<16x256xf32, #tpu.memory_space<vmem>>) dst(%dma_wait3A_490 : memref<16x256xf32, #tpu.memory_space<hbm>>)
      %mul3A_491 = arith.constant 16 : i32
      %mul3A_492 = arith.muli %add3A_482, %mul3A_491 : i32
      %get3A_493 = arith.index_cast %mul3A_492 : i32 to index
      %get3A_494 = tpu.vector_load %arg6[%get3A_493] {strides = array<i32>} : memref<16384xi32, #tpu.memory_space<vmem>>, vector<16xi32>,
      %mul3A_495 = arith.constant 16 : i32
      %mul3A_496 = vector.broadcast %mul3A_495 : i32 to vector<16xi32>
      %mul3A_497 = arith.muli %get3A_494, %mul3A_496 : vector<16xi32>
      %add3A_498 = arith.addi %mul3A_497, %iota3A : vector<16xi32>
      %mul3A_499 = arith.constant 256 : i32
      %mul3A_500 = vector.broadcast %mul3A_499 : i32 to vector<16xi32>
      %mul3A_501 = arith.muli %add3A_498, %mul3A_500 : vector<16xi32>
      %add3A_502 = vector.broadcast %mul3A_4 : i32 to vector<16xi32>
      %add3A_503 = arith.addi %add3A_502, %mul3A_501 : vector<16xi32>
      %slice3A_504 = vector.extract_strided_slice %add3A_503 {offsets = [0], sizes = [1], strides = [1]} : vector<16xi32> to vector<1xi32>
      %reshape3A_505 = vector.extract %slice3A_504[0] : i32 from vector<1xi32>
      %multiple_of3A_506 = tpu.assume_multiple %reshape3A_505, 256 : i32
      %dma_start3A_507 = arith.constant 0 : i32
      %dma_start3A_508 = arith.constant 0 : i32
      %dma_start3A_509 = tpu.memref_slice %arg7[%dma_start3A_507, %dma_start3A_508] : memref<16x256xf32, #tpu.memory_space<vmem>> -> memref<1x256xf32, #tpu.memory_space<vmem>>
      %dma_start3A_510 = tpu.memref_squeeze %dma_start3A_509 : memref<1x256xf32, #tpu.memory_space<vmem>> -> memref<256xf32, #tpu.memory_space<vmem>>
      %dma_start3A_511 = tpu.memref_slice %arg5[%multiple_of3A_506] : memref<655360xf32, #tpu.memory_space<vmem_shared>> -> memref<256xf32, #tpu.memory_space<vmem_shared>>
      %dma_start3A_512 = arith.constant 0 : i32
      %dma_start3A_513 = tpu.memref_slice %arg7[%dma_start3A_507, %dma_start3A_512] : memref<16x256xf32, #tpu.memory_space<vmem>> -> memref<1x256xf32, #tpu.memory_space<vmem>>
      %dma_start3A_514 = tpu.memref_squeeze %dma_start3A_513 : memref<1x256xf32, #tpu.memory_space<vmem>> -> memref<256xf32, #tpu.memory_space<vmem>>
      %dma_start3A_515 = tpu.memref_slice %arg5[%multiple_of3A_506] : memref<655360xf32, #tpu.memory_space<vmem_shared>> -> memref<256xf32, #tpu.memory_space<vmem_shared>>
      tpu.enqueue_dma source(%dma_start3A_515 : memref<256xf32, #tpu.memory_space<vmem_shared>>) target(%dma_start3A_514 : memref<256xf32, #tpu.memory_space<vmem>>) target_semaphore(%arg12 : memref<!tpu.dma_semaphore, #tpu.memory_space<semaphore_mem>>)
      %slice3A_516 = vector.extract_strided_slice %add3A_503 {offsets = [1], sizes = [1], strides = [1]} : vector<16xi32> to vector<1xi32>
      %reshape3A_517 = vector.extract %slice3A_516[0] : i32 from vector<1xi32>
      %multiple_of3A_518 = tpu.assume_multiple %reshape3A_517, 256 : i32
      %dma_start3A_519 = arith.constant 1 : i32
      %dma_start3A_520 = arith.constant 0 : i32
      %dma_start3A_521 = tpu.memref_slice %arg7[%dma_start3A_519, %dma_start3A_520] : memref<16x256xf32, #tpu.memory_space<vmem>> -> memref<1x256xf32, #tpu.memory_space<vmem>>
      %dma_start3A_522 = tpu.memref_squeeze %dma_start3A_521 : memref<1x256xf32, #tpu.memory_space<vmem>> -> memref<256xf32, #tpu.memory_space<vmem>>
      %dma_start3A_523 = tpu.memref_slice %arg5[%multiple_of3A_518] : memref<655360xf32, #tpu.memory_space<vmem_shared>> -> memref<256xf32, #tpu.memory_space<vmem_shared>>
      %dma_start3A_524 = arith.constant 0 : i32
      %dma_start3A_525 = tpu.memref_slice %arg7[%dma_start3A_519, %dma_start3A_524] : memref<16x256xf32, #tpu.memory_space<vmem>> -> memref<1x256xf32, #tpu.memory_space<vmem>>
      %dma_start3A_526 = tpu.memref_squeeze %dma_start3A_525 : memref<1x256xf32, #tpu.memory_space<vmem>> -> memref<256xf32, #tpu.memory_space<vmem>>
      %dma_start3A_527 = tpu.memref_slice %arg5[%multiple_of3A_518] : memref<655360xf32, #tpu.memory_space<vmem_shared>> -> memref<256xf32, #tpu.memory_space<vmem_shared>>
      tpu.enqueue_dma source(%dma_start3A_527 : memref<256xf32, #tpu.memory_space<vmem_shared>>) target(%dma_start3A_526 : memref<256xf32, #tpu.memory_space<vmem>>) target_semaphore(%arg12 : memref<!tpu.dma_semaphore, #tpu.memory_space<semaphore_mem>>)
      %slice3A_528 = vector.extract_strided_slice %add3A_503 {offsets = [2], sizes = [1], strides = [1]} : vector<16xi32> to vector<1xi32>
      %reshape3A_529 = vector.extract %slice3A_528[0] : i32 from vector<1xi32>
      %multiple_of3A_530 = tpu.assume_multiple %reshape3A_529, 256 : i32
      %dma_start3A_531 = arith.constant 2 : i32
      %dma_start3A_532 = arith.constant 0 : i32
      %dma_start3A_533 = tpu.memref_slice %arg7[%dma_start3A_531, %dma_start3A_532] : memref<16x256xf32, #tpu.memory_space<vmem>> -> memref<1x256xf32, #tpu.memory_space<vmem>>
      %dma_start3A_534 = tpu.memref_squeeze %dma_start3A_533 : memref<1x256xf32, #tpu.memory_space<vmem>> -> memref<256xf32, #tpu.memory_space<vmem>>
      %dma_start3A_535 = tpu.memref_slice %arg5[%multiple_of3A_530] : memref<655360xf32, #tpu.memory_space<vmem_shared>> -> memref<256xf32, #tpu.memory_space<vmem_shared>>
      %dma_start3A_536 = arith.constant 0 : i32
      %dma_start3A_537 = tpu.memref_slice %arg7[%dma_start3A_531, %dma_start3A_536] : memref<16x256xf32, #tpu.memory_space<vmem>> -> memref<1x256xf32, #tpu.memory_space<vmem>>
      %dma_start3A_538 = tpu.memref_squeeze %dma_start3A_537 : memref<1x256xf32, #tpu.memory_space<vmem>> -> memref<256xf32, #tpu.memory_space<vmem>>
      %dma_start3A_539 = tpu.memref_slice %arg5[%multiple_of3A_530] : memref<655360xf32, #tpu.memory_space<vmem_shared>> -> memref<256xf32, #tpu.memory_space<vmem_shared>>
      tpu.enqueue_dma source(%dma_start3A_539 : memref<256xf32, #tpu.memory_space<vmem_shared>>) target(%dma_start3A_538 : memref<256xf32, #tpu.memory_space<vmem>>) target_semaphore(%arg12 : memref<!tpu.dma_semaphore, #tpu.memory_space<semaphore_mem>>)
      %slice3A_540 = vector.extract_strided_slice %add3A_503 {offsets = [3], sizes = [1], strides = [1]} : vector<16xi32> to vector<1xi32>
      %reshape3A_541 = vector.extract %slice3A_540[0] : i32 from vector<1xi32>
      %multiple_of3A_542 = tpu.assume_multiple %reshape3A_541, 256 : i32
      %dma_start3A_543 = arith.constant 3 : i32
      %dma_start3A_544 = arith.constant 0 : i32
      %dma_start3A_545 = tpu.memref_slice %arg7[%dma_start3A_543, %dma_start3A_544] : memref<16x256xf32, #tpu.memory_space<vmem>> -> memref<1x256xf32, #tpu.memory_space<vmem>>
      %dma_start3A_546 = tpu.memref_squeeze %dma_start3A_545 : memref<1x256xf32, #tpu.memory_space<vmem>> -> memref<256xf32, #tpu.memory_space<vmem>>
      %dma_start3A_547 = tpu.memref_slice %arg5[%multiple_of3A_542] : memref<655360xf32, #tpu.memory_space<vmem_shared>> -> memref<256xf32, #tpu.memory_space<vmem_shared>>
      %dma_start3A_548 = arith.constant 0 : i32
      %dma_start3A_549 = tpu.memref_slice %arg7[%dma_start3A_543, %dma_start3A_548] : memref<16x256xf32, #tpu.memory_space<vmem>> -> memref<1x256xf32, #tpu.memory_space<vmem>>
      %dma_start3A_550 = tpu.memref_squeeze %dma_start3A_549 : memref<1x256xf32, #tpu.memory_space<vmem>> -> memref<256xf32, #tpu.memory_space<vmem>>
      %dma_start3A_551 = tpu.memref_slice %arg5[%multiple_of3A_542] : memref<655360xf32, #tpu.memory_space<vmem_shared>> -> memref<256xf32, #tpu.memory_space<vmem_shared>>
      tpu.enqueue_dma source(%dma_start3A_551 : memref<256xf32, #tpu.memory_space<vmem_shared>>) target(%dma_start3A_550 : memref<256xf32, #tpu.memory_space<vmem>>) target_semaphore(%arg12 : memref<!tpu.dma_semaphore, #tpu.memory_space<semaphore_mem>>)
      %slice3A_552 = vector.extract_strided_slice %add3A_503 {offsets = [4], sizes = [1], strides = [1]} : vector<16xi32> to vector<1xi32>
      %reshape3A_553 = vector.extract %slice3A_552[0] : i32 from vector<1xi32>
      %multiple_of3A_554 = tpu.assume_multiple %reshape3A_553, 256 : i32
      %dma_start3A_555 = arith.constant 4 : i32
      %dma_start3A_556 = arith.constant 0 : i32
      %dma_start3A_557 = tpu.memref_slice %arg7[%dma_start3A_555, %dma_start3A_556] : memref<16x256xf32, #tpu.memory_space<vmem>> -> memref<1x256xf32, #tpu.memory_space<vmem>>
      %dma_start3A_558 = tpu.memref_squeeze %dma_start3A_557 : memref<1x256xf32, #tpu.memory_space<vmem>> -> memref<256xf32, #tpu.memory_space<vmem>>
      %dma_start3A_559 = tpu.memref_slice %arg5[%multiple_of3A_554] : memref<655360xf32, #tpu.memory_space<vmem_shared>> -> memref<256xf32, #tpu.memory_space<vmem_shared>>
      %dma_start3A_560 = arith.constant 0 : i32
      %dma_start3A_561 = tpu.memref_slice %arg7[%dma_start3A_555, %dma_start3A_560] : memref<16x256xf32, #tpu.memory_space<vmem>> -> memref<1x256xf32, #tpu.memory_space<vmem>>
      %dma_start3A_562 = tpu.memref_squeeze %dma_start3A_561 : memref<1x256xf32, #tpu.memory_space<vmem>> -> memref<256xf32, #tpu.memory_space<vmem>>
      %dma_start3A_563 = tpu.memref_slice %arg5[%multiple_of3A_554] : memref<655360xf32, #tpu.memory_space<vmem_shared>> -> memref<256xf32, #tpu.memory_space<vmem_shared>>
      tpu.enqueue_dma source(%dma_start3A_563 : memref<256xf32, #tpu.memory_space<vmem_shared>>) target(%dma_start3A_562 : memref<256xf32, #tpu.memory_space<vmem>>) target_semaphore(%arg12 : memref<!tpu.dma_semaphore, #tpu.memory_space<semaphore_mem>>)
      %slice3A_564 = vector.extract_strided_slice %add3A_503 {offsets = [5], sizes = [1], strides = [1]} : vector<16xi32> to vector<1xi32>
      %reshape3A_565 = vector.extract %slice3A_564[0] : i32 from vector<1xi32>
      %multiple_of3A_566 = tpu.assume_multiple %reshape3A_565, 256 : i32
      %dma_start3A_567 = arith.constant 5 : i32
      %dma_start3A_568 = arith.constant 0 : i32
      %dma_start3A_569 = tpu.memref_slice %arg7[%dma_start3A_567, %dma_start3A_568] : memref<16x256xf32, #tpu.memory_space<vmem>> -> memref<1x256xf32, #tpu.memory_space<vmem>>
      %dma_start3A_570 = tpu.memref_squeeze %dma_start3A_569 : memref<1x256xf32, #tpu.memory_space<vmem>> -> memref<256xf32, #tpu.memory_space<vmem>>
      %dma_start3A_571 = tpu.memref_slice %arg5[%multiple_of3A_566] : memref<655360xf32, #tpu.memory_space<vmem_shared>> -> memref<256xf32, #tpu.memory_space<vmem_shared>>
      %dma_start3A_572 = arith.constant 0 : i32
      %dma_start3A_573 = tpu.memref_slice %arg7[%dma_start3A_567, %dma_start3A_572] : memref<16x256xf32, #tpu.memory_space<vmem>> -> memref<1x256xf32, #tpu.memory_space<vmem>>
      %dma_start3A_574 = tpu.memref_squeeze %dma_start3A_573 : memref<1x256xf32, #tpu.memory_space<vmem>> -> memref<256xf32, #tpu.memory_space<vmem>>
      %dma_start3A_575 = tpu.memref_slice %arg5[%multiple_of3A_566] : memref<655360xf32, #tpu.memory_space<vmem_shared>> -> memref<256xf32, #tpu.memory_space<vmem_shared>>
      tpu.enqueue_dma source(%dma_start3A_575 : memref<256xf32, #tpu.memory_space<vmem_shared>>) target(%dma_start3A_574 : memref<256xf32, #tpu.memory_space<vmem>>) target_semaphore(%arg12 : memref<!tpu.dma_semaphore, #tpu.memory_space<semaphore_mem>>)
      %slice3A_576 = vector.extract_strided_slice %add3A_503 {offsets = [6], sizes = [1], strides = [1]} : vector<16xi32> to vector<1xi32>
      %reshape3A_577 = vector.extract %slice3A_576[0] : i32 from vector<1xi32>
      %multiple_of3A_578 = tpu.assume_multiple %reshape3A_577, 256 : i32
      %dma_start3A_579 = arith.constant 6 : i32
      %dma_start3A_580 = arith.constant 0 : i32
      %dma_start3A_581 = tpu.memref_slice %arg7[%dma_start3A_579, %dma_start3A_580] : memref<16x256xf32, #tpu.memory_space<vmem>> -> memref<1x256xf32, #tpu.memory_space<vmem>>
      %dma_start3A_582 = tpu.memref_squeeze %dma_start3A_581 : memref<1x256xf32, #tpu.memory_space<vmem>> -> memref<256xf32, #tpu.memory_space<vmem>>
      %dma_start3A_583 = tpu.memref_slice %arg5[%multiple_of3A_578] : memref<655360xf32, #tpu.memory_space<vmem_shared>> -> memref<256xf32, #tpu.memory_space<vmem_shared>>
      %dma_start3A_584 = arith.constant 0 : i32
      %dma_start3A_585 = tpu.memref_slice %arg7[%dma_start3A_579, %dma_start3A_584] : memref<16x256xf32, #tpu.memory_space<vmem>> -> memref<1x256xf32, #tpu.memory_space<vmem>>
      %dma_start3A_586 = tpu.memref_squeeze %dma_start3A_585 : memref<1x256xf32, #tpu.memory_space<vmem>> -> memref<256xf32, #tpu.memory_space<vmem>>
      %dma_start3A_587 = tpu.memref_slice %arg5[%multiple_of3A_578] : memref<655360xf32, #tpu.memory_space<vmem_shared>> -> memref<256xf32, #tpu.memory_space<vmem_shared>>
      tpu.enqueue_dma source(%dma_start3A_587 : memref<256xf32, #tpu.memory_space<vmem_shared>>) target(%dma_start3A_586 : memref<256xf32, #tpu.memory_space<vmem>>) target_semaphore(%arg12 : memref<!tpu.dma_semaphore, #tpu.memory_space<semaphore_mem>>)
      %slice3A_588 = vector.extract_strided_slice %add3A_503 {offsets = [7], sizes = [1], strides = [1]} : vector<16xi32> to vector<1xi32>
      %reshape3A_589 = vector.extract %slice3A_588[0] : i32 from vector<1xi32>
      %multiple_of3A_590 = tpu.assume_multiple %reshape3A_589, 256 : i32
      %dma_start3A_591 = arith.constant 7 : i32
      %dma_start3A_592 = arith.constant 0 : i32
      %dma_start3A_593 = tpu.memref_slice %arg7[%dma_start3A_591, %dma_start3A_592] : memref<16x256xf32, #tpu.memory_space<vmem>> -> memref<1x256xf32, #tpu.memory_space<vmem>>
      %dma_start3A_594 = tpu.memref_squeeze %dma_start3A_593 : memref<1x256xf32, #tpu.memory_space<vmem>> -> memref<256xf32, #tpu.memory_space<vmem>>
      %dma_start3A_595 = tpu.memref_slice %arg5[%multiple_of3A_590] : memref<655360xf32, #tpu.memory_space<vmem_shared>> -> memref<256xf32, #tpu.memory_space<vmem_shared>>
      %dma_start3A_596 = arith.constant 0 : i32
      %dma_start3A_597 = tpu.memref_slice %arg7[%dma_start3A_591, %dma_start3A_596] : memref<16x256xf32, #tpu.memory_space<vmem>> -> memref<1x256xf32, #tpu.memory_space<vmem>>
      %dma_start3A_598 = tpu.memref_squeeze %dma_start3A_597 : memref<1x256xf32, #tpu.memory_space<vmem>> -> memref<256xf32, #tpu.memory_space<vmem>>
      %dma_start3A_599 = tpu.memref_slice %arg5[%multiple_of3A_590] : memref<655360xf32, #tpu.memory_space<vmem_shared>> -> memref<256xf32, #tpu.memory_space<vmem_shared>>
      tpu.enqueue_dma source(%dma_start3A_599 : memref<256xf32, #tpu.memory_space<vmem_shared>>) target(%dma_start3A_598 : memref<256xf32, #tpu.memory_space<vmem>>) target_semaphore(%arg12 : memref<!tpu.dma_semaphore, #tpu.memory_space<semaphore_mem>>)
      %slice3A_600 = vector.extract_strided_slice %add3A_503 {offsets = [8], sizes = [1], strides = [1]} : vector<16xi32> to vector<1xi32>
      %reshape3A_601 = vector.extract %slice3A_600[0] : i32 from vector<1xi32>
      %multiple_of3A_602 = tpu.assume_multiple %reshape3A_601, 256 : i32
      %dma_start3A_603 = arith.constant 8 : i32
      %dma_start3A_604 = arith.constant 0 : i32
      %dma_start3A_605 = tpu.memref_slice %arg7[%dma_start3A_603, %dma_start3A_604] : memref<16x256xf32, #tpu.memory_space<vmem>> -> memref<1x256xf32, #tpu.memory_space<vmem>>
      %dma_start3A_606 = tpu.memref_squeeze %dma_start3A_605 : memref<1x256xf32, #tpu.memory_space<vmem>> -> memref<256xf32, #tpu.memory_space<vmem>>
      %dma_start3A_607 = tpu.memref_slice %arg5[%multiple_of3A_602] : memref<655360xf32, #tpu.memory_space<vmem_shared>> -> memref<256xf32, #tpu.memory_space<vmem_shared>>
      %dma_start3A_608 = arith.constant 0 : i32
      %dma_start3A_609 = tpu.memref_slice %arg7[%dma_start3A_603, %dma_start3A_608] : memref<16x256xf32, #tpu.memory_space<vmem>> -> memref<1x256xf32, #tpu.memory_space<vmem>>
      %dma_start3A_610 = tpu.memref_squeeze %dma_start3A_609 : memref<1x256xf32, #tpu.memory_space<vmem>> -> memref<256xf32, #tpu.memory_space<vmem>>
      %dma_start3A_611 = tpu.memref_slice %arg5[%multiple_of3A_602] : memref<655360xf32, #tpu.memory_space<vmem_shared>> -> memref<256xf32, #tpu.memory_space<vmem_shared>>
      tpu.enqueue_dma source(%dma_start3A_611 : memref<256xf32, #tpu.memory_space<vmem_shared>>) target(%dma_start3A_610 : memref<256xf32, #tpu.memory_space<vmem>>) target_semaphore(%arg12 : memref<!tpu.dma_semaphore, #tpu.memory_space<semaphore_mem>>)
      %slice3A_612 = vector.extract_strided_slice %add3A_503 {offsets = [9], sizes = [1], strides = [1]} : vector<16xi32> to vector<1xi32>
      %reshape3A_613 = vector.extract %slice3A_612[0] : i32 from vector<1xi32>
      %multiple_of3A_614 = tpu.assume_multiple %reshape3A_613, 256 : i32
      %dma_start3A_615 = arith.constant 9 : i32
      %dma_start3A_616 = arith.constant 0 : i32
      %dma_start3A_617 = tpu.memref_slice %arg7[%dma_start3A_615, %dma_start3A_616] : memref<16x256xf32, #tpu.memory_space<vmem>> -> memref<1x256xf32, #tpu.memory_space<vmem>>
      %dma_start3A_618 = tpu.memref_squeeze %dma_start3A_617 : memref<1x256xf32, #tpu.memory_space<vmem>> -> memref<256xf32, #tpu.memory_space<vmem>>
      %dma_start3A_619 = tpu.memref_slice %arg5[%multiple_of3A_614] : memref<655360xf32, #tpu.memory_space<vmem_shared>> -> memref<256xf32, #tpu.memory_space<vmem_shared>>
      %dma_start3A_620 = arith.constant 0 : i32
      %dma_start3A_621 = tpu.memref_slice %arg7[%dma_start3A_615, %dma_start3A_620] : memref<16x256xf32, #tpu.memory_space<vmem>> -> memref<1x256xf32, #tpu.memory_space<vmem>>
      %dma_start3A_622 = tpu.memref_squeeze %dma_start3A_621 : memref<1x256xf32, #tpu.memory_space<vmem>> -> memref<256xf32, #tpu.memory_space<vmem>>
      %dma_start3A_623 = tpu.memref_slice %arg5[%multiple_of3A_614] : memref<655360xf32, #tpu.memory_space<vmem_shared>> -> memref<256xf32, #tpu.memory_space<vmem_shared>>
      tpu.enqueue_dma source(%dma_start3A_623 : memref<256xf32, #tpu.memory_space<vmem_shared>>) target(%dma_start3A_622 : memref<256xf32, #tpu.memory_space<vmem>>) target_semaphore(%arg12 : memref<!tpu.dma_semaphore, #tpu.memory_space<semaphore_mem>>)
      %slice3A_624 = vector.extract_strided_slice %add3A_503 {offsets = [10], sizes = [1], strides = [1]} : vector<16xi32> to vector<1xi32>
      %reshape3A_625 = vector.extract %slice3A_624[0] : i32 from vector<1xi32>
      %multiple_of3A_626 = tpu.assume_multiple %reshape3A_625, 256 : i32
      %dma_start3A_627 = arith.constant 10 : i32
      %dma_start3A_628 = arith.constant 0 : i32
      %dma_start3A_629 = tpu.memref_slice %arg7[%dma_start3A_627, %dma_start3A_628] : memref<16x256xf32, #tpu.memory_space<vmem>> -> memref<1x256xf32, #tpu.memory_space<vmem>>
      %dma_start3A_630 = tpu.memref_squeeze %dma_start3A_629 : memref<1x256xf32, #tpu.memory_space<vmem>> -> memref<256xf32, #tpu.memory_space<vmem>>
      %dma_start3A_631 = tpu.memref_slice %arg5[%multiple_of3A_626] : memref<655360xf32, #tpu.memory_space<vmem_shared>> -> memref<256xf32, #tpu.memory_space<vmem_shared>>
      %dma_start3A_632 = arith.constant 0 : i32
      %dma_start3A_633 = tpu.memref_slice %arg7[%dma_start3A_627, %dma_start3A_632] : memref<16x256xf32, #tpu.memory_space<vmem>> -> memref<1x256xf32, #tpu.memory_space<vmem>>
      %dma_start3A_634 = tpu.memref_squeeze %dma_start3A_633 : memref<1x256xf32, #tpu.memory_space<vmem>> -> memref<256xf32, #tpu.memory_space<vmem>>
      %dma_start3A_635 = tpu.memref_slice %arg5[%multiple_of3A_626] : memref<655360xf32, #tpu.memory_space<vmem_shared>> -> memref<256xf32, #tpu.memory_space<vmem_shared>>
      tpu.enqueue_dma source(%dma_start3A_635 : memref<256xf32, #tpu.memory_space<vmem_shared>>) target(%dma_start3A_634 : memref<256xf32, #tpu.memory_space<vmem>>) target_semaphore(%arg12 : memref<!tpu.dma_semaphore, #tpu.memory_space<semaphore_mem>>)
      %slice3A_636 = vector.extract_strided_slice %add3A_503 {offsets = [11], sizes = [1], strides = [1]} : vector<16xi32> to vector<1xi32>
      %reshape3A_637 = vector.extract %slice3A_636[0] : i32 from vector<1xi32>
      %multiple_of3A_638 = tpu.assume_multiple %reshape3A_637, 256 : i32
      %dma_start3A_639 = arith.constant 11 : i32
      %dma_start3A_640 = arith.constant 0 : i32
      %dma_start3A_641 = tpu.memref_slice %arg7[%dma_start3A_639, %dma_start3A_640] : memref<16x256xf32, #tpu.memory_space<vmem>> -> memref<1x256xf32, #tpu.memory_space<vmem>>
      %dma_start3A_642 = tpu.memref_squeeze %dma_start3A_641 : memref<1x256xf32, #tpu.memory_space<vmem>> -> memref<256xf32, #tpu.memory_space<vmem>>
      %dma_start3A_643 = tpu.memref_slice %arg5[%multiple_of3A_638] : memref<655360xf32, #tpu.memory_space<vmem_shared>> -> memref<256xf32, #tpu.memory_space<vmem_shared>>
      %dma_start3A_644 = arith.constant 0 : i32
      %dma_start3A_645 = tpu.memref_slice %arg7[%dma_start3A_639, %dma_start3A_644] : memref<16x256xf32, #tpu.memory_space<vmem>> -> memref<1x256xf32, #tpu.memory_space<vmem>>
      %dma_start3A_646 = tpu.memref_squeeze %dma_start3A_645 : memref<1x256xf32, #tpu.memory_space<vmem>> -> memref<256xf32, #tpu.memory_space<vmem>>
      %dma_start3A_647 = tpu.memref_slice %arg5[%multiple_of3A_638] : memref<655360xf32, #tpu.memory_space<vmem_shared>> -> memref<256xf32, #tpu.memory_space<vmem_shared>>
      tpu.enqueue_dma source(%dma_start3A_647 : memref<256xf32, #tpu.memory_space<vmem_shared>>) target(%dma_start3A_646 : memref<256xf32, #tpu.memory_space<vmem>>) target_semaphore(%arg12 : memref<!tpu.dma_semaphore, #tpu.memory_space<semaphore_mem>>)
      %slice3A_648 = vector.extract_strided_slice %add3A_503 {offsets = [12], sizes = [1], strides = [1]} : vector<16xi32> to vector<1xi32>
      %reshape3A_649 = vector.extract %slice3A_648[0] : i32 from vector<1xi32>
      %multiple_of3A_650 = tpu.assume_multiple %reshape3A_649, 256 : i32
      %dma_start3A_651 = arith.constant 12 : i32
      %dma_start3A_652 = arith.constant 0 : i32
      %dma_start3A_653 = tpu.memref_slice %arg7[%dma_start3A_651, %dma_start3A_652] : memref<16x256xf32, #tpu.memory_space<vmem>> -> memref<1x256xf32, #tpu.memory_space<vmem>>
      %dma_start3A_654 = tpu.memref_squeeze %dma_start3A_653 : memref<1x256xf32, #tpu.memory_space<vmem>> -> memref<256xf32, #tpu.memory_space<vmem>>
      %dma_start3A_655 = tpu.memref_slice %arg5[%multiple_of3A_650] : memref<655360xf32, #tpu.memory_space<vmem_shared>> -> memref<256xf32, #tpu.memory_space<vmem_shared>>
      %dma_start3A_656 = arith.constant 0 : i32
      %dma_start3A_657 = tpu.memref_slice %arg7[%dma_start3A_651, %dma_start3A_656] : memref<16x256xf32, #tpu.memory_space<vmem>> -> memref<1x256xf32, #tpu.memory_space<vmem>>
      %dma_start3A_658 = tpu.memref_squeeze %dma_start3A_657 : memref<1x256xf32, #tpu.memory_space<vmem>> -> memref<256xf32, #tpu.memory_space<vmem>>
      %dma_start3A_659 = tpu.memref_slice %arg5[%multiple_of3A_650] : memref<655360xf32, #tpu.memory_space<vmem_shared>> -> memref<256xf32, #tpu.memory_space<vmem_shared>>
      tpu.enqueue_dma source(%dma_start3A_659 : memref<256xf32, #tpu.memory_space<vmem_shared>>) target(%dma_start3A_658 : memref<256xf32, #tpu.memory_space<vmem>>) target_semaphore(%arg12 : memref<!tpu.dma_semaphore, #tpu.memory_space<semaphore_mem>>)
      %slice3A_660 = vector.extract_strided_slice %add3A_503 {offsets = [13], sizes = [1], strides = [1]} : vector<16xi32> to vector<1xi32>
      %reshape3A_661 = vector.extract %slice3A_660[0] : i32 from vector<1xi32>
      %multiple_of3A_662 = tpu.assume_multiple %reshape3A_661, 256 : i32
      %dma_start3A_663 = arith.constant 13 : i32
      %dma_start3A_664 = arith.constant 0 : i32
      %dma_start3A_665 = tpu.memref_slice %arg7[%dma_start3A_663, %dma_start3A_664] : memref<16x256xf32, #tpu.memory_space<vmem>> -> memref<1x256xf32, #tpu.memory_space<vmem>>
      %dma_start3A_666 = tpu.memref_squeeze %dma_start3A_665 : memref<1x256xf32, #tpu.memory_space<vmem>> -> memref<256xf32, #tpu.memory_space<vmem>>
      %dma_start3A_667 = tpu.memref_slice %arg5[%multiple_of3A_662] : memref<655360xf32, #tpu.memory_space<vmem_shared>> -> memref<256xf32, #tpu.memory_space<vmem_shared>>
      %dma_start3A_668 = arith.constant 0 : i32
      %dma_start3A_669 = tpu.memref_slice %arg7[%dma_start3A_663, %dma_start3A_668] : memref<16x256xf32, #tpu.memory_space<vmem>> -> memref<1x256xf32, #tpu.memory_space<vmem>>
      %dma_start3A_670 = tpu.memref_squeeze %dma_start3A_669 : memref<1x256xf32, #tpu.memory_space<vmem>> -> memref<256xf32, #tpu.memory_space<vmem>>
      %dma_start3A_671 = tpu.memref_slice %arg5[%multiple_of3A_662] : memref<655360xf32, #tpu.memory_space<vmem_shared>> -> memref<256xf32, #tpu.memory_space<vmem_shared>>
      tpu.enqueue_dma source(%dma_start3A_671 : memref<256xf32, #tpu.memory_space<vmem_shared>>) target(%dma_start3A_670 : memref<256xf32, #tpu.memory_space<vmem>>) target_semaphore(%arg12 : memref<!tpu.dma_semaphore, #tpu.memory_space<semaphore_mem>>)
      %slice3A_672 = vector.extract_strided_slice %add3A_503 {offsets = [14], sizes = [1], strides = [1]} : vector<16xi32> to vector<1xi32>
      %reshape3A_673 = vector.extract %slice3A_672[0] : i32 from vector<1xi32>
      %multiple_of3A_674 = tpu.assume_multiple %reshape3A_673, 256 : i32
      %dma_start3A_675 = arith.constant 14 : i32
      %dma_start3A_676 = arith.constant 0 : i32
      %dma_start3A_677 = tpu.memref_slice %arg7[%dma_start3A_675, %dma_start3A_676] : memref<16x256xf32, #tpu.memory_space<vmem>> -> memref<1x256xf32, #tpu.memory_space<vmem>>
      %dma_start3A_678 = tpu.memref_squeeze %dma_start3A_677 : memref<1x256xf32, #tpu.memory_space<vmem>> -> memref<256xf32, #tpu.memory_space<vmem>>
      %dma_start3A_679 = tpu.memref_slice %arg5[%multiple_of3A_674] : memref<655360xf32, #tpu.memory_space<vmem_shared>> -> memref<256xf32, #tpu.memory_space<vmem_shared>>
      %dma_start3A_680 = arith.constant 0 : i32
      %dma_start3A_681 = tpu.memref_slice %arg7[%dma_start3A_675, %dma_start3A_680] : memref<16x256xf32, #tpu.memory_space<vmem>> -> memref<1x256xf32, #tpu.memory_space<vmem>>
      %dma_start3A_682 = tpu.memref_squeeze %dma_start3A_681 : memref<1x256xf32, #tpu.memory_space<vmem>> -> memref<256xf32, #tpu.memory_space<vmem>>
      %dma_start3A_683 = tpu.memref_slice %arg5[%multiple_of3A_674] : memref<655360xf32, #tpu.memory_space<vmem_shared>> -> memref<256xf32, #tpu.memory_space<vmem_shared>>
      tpu.enqueue_dma source(%dma_start3A_683 : memref<256xf32, #tpu.memory_space<vmem_shared>>) target(%dma_start3A_682 : memref<256xf32, #tpu.memory_space<vmem>>) target_semaphore(%arg12 : memref<!tpu.dma_semaphore, #tpu.memory_space<semaphore_mem>>)
      %slice3A_684 = vector.extract_strided_slice %add3A_503 {offsets = [15], sizes = [1], strides = [1]} : vector<16xi32> to vector<1xi32>
      %reshape3A_685 = vector.extract %slice3A_684[0] : i32 from vector<1xi32>
      %multiple_of3A_686 = tpu.assume_multiple %reshape3A_685, 256 : i32
      %dma_start3A_687 = arith.constant 15 : i32
      %dma_start3A_688 = arith.constant 0 : i32
      %dma_start3A_689 = tpu.memref_slice %arg7[%dma_start3A_687, %dma_start3A_688] : memref<16x256xf32, #tpu.memory_space<vmem>> -> memref<1x256xf32, #tpu.memory_space<vmem>>
      %dma_start3A_690 = tpu.memref_squeeze %dma_start3A_689 : memref<1x256xf32, #tpu.memory_space<vmem>> -> memref<256xf32, #tpu.memory_space<vmem>>
      %dma_start3A_691 = tpu.memref_slice %arg5[%multiple_of3A_686] : memref<655360xf32, #tpu.memory_space<vmem_shared>> -> memref<256xf32, #tpu.memory_space<vmem_shared>>
      %dma_start3A_692 = arith.constant 0 : i32
      %dma_start3A_693 = tpu.memref_slice %arg7[%dma_start3A_687, %dma_start3A_692] : memref<16x256xf32, #tpu.memory_space<vmem>> -> memref<1x256xf32, #tpu.memory_space<vmem>>
      %dma_start3A_694 = tpu.memref_squeeze %dma_start3A_693 : memref<1x256xf32, #tpu.memory_space<vmem>> -> memref<256xf32, #tpu.memory_space<vmem>>
      %dma_start3A_695 = tpu.memref_slice %arg5[%multiple_of3A_686] : memref<655360xf32, #tpu.memory_space<vmem_shared>> -> memref<256xf32, #tpu.memory_space<vmem_shared>>
      tpu.enqueue_dma source(%dma_start3A_695 : memref<256xf32, #tpu.memory_space<vmem_shared>>) target(%dma_start3A_694 : memref<256xf32, #tpu.memory_space<vmem>>) target_semaphore(%arg12 : memref<!tpu.dma_semaphore, #tpu.memory_space<semaphore_mem>>)
      %dma_wait3A_696 = arith.constant 0 : i32
      %dma_wait3A_697 = arith.constant 0 : i32
      %dma_wait3A_698 = tpu.memref_slice %arg4[%dma_wait3A_696, %dma_wait3A_697] : memref<524288x256xf32, #tpu.memory_space<hbm>> -> memref<16x256xf32, #tpu.memory_space<hbm>>
      %dma_wait3A_699 = arith.constant 0 : i32
      %dma_wait3A_700 = arith.constant 0 : i32
      %dma_wait3A_701 = tpu.memref_slice %arg4[%dma_wait3A_699, %dma_wait3A_700] : memref<524288x256xf32, #tpu.memory_space<hbm>> -> memref<16x256xf32, #tpu.memory_space<hbm>>
      tpu.wait_dma2 semaphore(%arg12 : memref<!tpu.dma_semaphore, #tpu.memory_space<semaphore_mem>>) src(%dma_wait3A_701 : memref<16x256xf32, #tpu.memory_space<hbm>>) dst(%arg7 : memref<16x256xf32, #tpu.memory_space<vmem>>)
      %mul3A_702 = arith.constant 512 : i32
      %mul3A_703 = arith.muli %add3A_482, %mul3A_702 : i32
      %add3A_704 = arith.addi %mul3A_703, %mul3A_2 : i32
      %dma_start3A_705 = arith.constant 0 : i32
      %dma_start3A_706 = tpu.memref_slice %arg4[%add3A_704, %dma_start3A_705] : memref<524288x256xf32, #tpu.memory_space<hbm>> -> memref<16x256xf32, #tpu.memory_space<hbm>>
      %dma_start3A_707 = arith.constant 0 : i32
      %dma_start3A_708 = tpu.memref_slice %arg4[%add3A_704, %dma_start3A_707] : memref<524288x256xf32, #tpu.memory_space<hbm>> -> memref<16x256xf32, #tpu.memory_space<hbm>>
      tpu.enqueue_dma source(%arg7 : memref<16x256xf32, #tpu.memory_space<vmem>>) target(%dma_start3A_708 : memref<16x256xf32, #tpu.memory_space<hbm>>) target_semaphore(%arg10 : memref<!tpu.dma_semaphore, #tpu.memory_space<semaphore_mem>>)
      %mul3A_709 = arith.constant 2 : i32
      %mul3A_710 = arith.muli %scan3A_477, %mul3A_709 : i32
      %add3A_711 = arith.constant 1 : i32
      %add3A_712 = arith.addi %mul3A_710, %add3A_711 : i32
      %sub3A_713 = arith.constant 2 : i32
      %sub3A_714 = arith.subi %add3A_712, %sub3A_713 : i32
      %mul3A_715 = arith.constant 512 : i32
      %mul3A_716 = arith.muli %sub3A_714, %mul3A_715 : i32
      %add3A_717 = arith.addi %mul3A_716, %mul3A_2 : i32
      %dma_wait3A_718 = arith.constant 0 : i32
      %dma_wait3A_719 = tpu.memref_slice %arg4[%add3A_717, %dma_wait3A_718] : memref<524288x256xf32, #tpu.memory_space<hbm>> -> memref<16x256xf32, #tpu.memory_space<hbm>>
      %dma_wait3A_720 = arith.constant 0 : i32
      %dma_wait3A_721 = tpu.memref_slice %arg4[%add3A_717, %dma_wait3A_720] : memref<524288x256xf32, #tpu.memory_space<hbm>> -> memref<16x256xf32, #tpu.memory_space<hbm>>
      tpu.wait_dma2 semaphore(%arg11 : memref<!tpu.dma_semaphore, #tpu.memory_space<semaphore_mem>>) src(%arg8 : memref<16x256xf32, #tpu.memory_space<vmem>>) dst(%dma_wait3A_721 : memref<16x256xf32, #tpu.memory_space<hbm>>)
      %mul3A_722 = arith.constant 16 : i32
      %mul3A_723 = arith.muli %add3A_712, %mul3A_722 : i32
      %get3A_724 = arith.index_cast %mul3A_723 : i32 to index
      %get3A_725 = tpu.vector_load %arg6[%get3A_724] {strides = array<i32>} : memref<16384xi32, #tpu.memory_space<vmem>>, vector<16xi32>,
      %mul3A_726 = arith.constant 16 : i32
      %mul3A_727 = vector.broadcast %mul3A_726 : i32 to vector<16xi32>
      %mul3A_728 = arith.muli %get3A_725, %mul3A_727 : vector<16xi32>
      %add3A_729 = arith.addi %mul3A_728, %iota3A : vector<16xi32>
      %mul3A_730 = arith.constant 256 : i32
      %mul3A_731 = vector.broadcast %mul3A_730 : i32 to vector<16xi32>
      %mul3A_732 = arith.muli %add3A_729, %mul3A_731 : vector<16xi32>
      %add3A_733 = vector.broadcast %mul3A_4 : i32 to vector<16xi32>
      %add3A_734 = arith.addi %add3A_733, %mul3A_732 : vector<16xi32>
      %slice3A_735 = vector.extract_strided_slice %add3A_734 {offsets = [0], sizes = [1], strides = [1]} : vector<16xi32> to vector<1xi32>
      %reshape3A_736 = vector.extract %slice3A_735[0] : i32 from vector<1xi32>
      %multiple_of3A_737 = tpu.assume_multiple %reshape3A_736, 256 : i32
      %dma_start3A_738 = arith.constant 0 : i32
      %dma_start3A_739 = arith.constant 0 : i32
      %dma_start3A_740 = tpu.memref_slice %arg8[%dma_start3A_738, %dma_start3A_739] : memref<16x256xf32, #tpu.memory_space<vmem>> -> memref<1x256xf32, #tpu.memory_space<vmem>>
      %dma_start3A_741 = tpu.memref_squeeze %dma_start3A_740 : memref<1x256xf32, #tpu.memory_space<vmem>> -> memref<256xf32, #tpu.memory_space<vmem>>
      %dma_start3A_742 = tpu.memref_slice %arg5[%multiple_of3A_737] : memref<655360xf32, #tpu.memory_space<vmem_shared>> -> memref<256xf32, #tpu.memory_space<vmem_shared>>
      %dma_start3A_743 = arith.constant 0 : i32
      %dma_start3A_744 = tpu.memref_slice %arg8[%dma_start3A_738, %dma_start3A_743] : memref<16x256xf32, #tpu.memory_space<vmem>> -> memref<1x256xf32, #tpu.memory_space<vmem>>
      %dma_start3A_745 = tpu.memref_squeeze %dma_start3A_744 : memref<1x256xf32, #tpu.memory_space<vmem>> -> memref<256xf32, #tpu.memory_space<vmem>>
      %dma_start3A_746 = tpu.memref_slice %arg5[%multiple_of3A_737] : memref<655360xf32, #tpu.memory_space<vmem_shared>> -> memref<256xf32, #tpu.memory_space<vmem_shared>>
      tpu.enqueue_dma source(%dma_start3A_746 : memref<256xf32, #tpu.memory_space<vmem_shared>>) target(%dma_start3A_745 : memref<256xf32, #tpu.memory_space<vmem>>) target_semaphore(%arg12 : memref<!tpu.dma_semaphore, #tpu.memory_space<semaphore_mem>>)
      %slice3A_747 = vector.extract_strided_slice %add3A_734 {offsets = [1], sizes = [1], strides = [1]} : vector<16xi32> to vector<1xi32>
      %reshape3A_748 = vector.extract %slice3A_747[0] : i32 from vector<1xi32>
      %multiple_of3A_749 = tpu.assume_multiple %reshape3A_748, 256 : i32
      %dma_start3A_750 = arith.constant 1 : i32
      %dma_start3A_751 = arith.constant 0 : i32
      %dma_start3A_752 = tpu.memref_slice %arg8[%dma_start3A_750, %dma_start3A_751] : memref<16x256xf32, #tpu.memory_space<vmem>> -> memref<1x256xf32, #tpu.memory_space<vmem>>
      %dma_start3A_753 = tpu.memref_squeeze %dma_start3A_752 : memref<1x256xf32, #tpu.memory_space<vmem>> -> memref<256xf32, #tpu.memory_space<vmem>>
      %dma_start3A_754 = tpu.memref_slice %arg5[%multiple_of3A_749] : memref<655360xf32, #tpu.memory_space<vmem_shared>> -> memref<256xf32, #tpu.memory_space<vmem_shared>>
      %dma_start3A_755 = arith.constant 0 : i32
      %dma_start3A_756 = tpu.memref_slice %arg8[%dma_start3A_750, %dma_start3A_755] : memref<16x256xf32, #tpu.memory_space<vmem>> -> memref<1x256xf32, #tpu.memory_space<vmem>>
      %dma_start3A_757 = tpu.memref_squeeze %dma_start3A_756 : memref<1x256xf32, #tpu.memory_space<vmem>> -> memref<256xf32, #tpu.memory_space<vmem>>
      %dma_start3A_758 = tpu.memref_slice %arg5[%multiple_of3A_749] : memref<655360xf32, #tpu.memory_space<vmem_shared>> -> memref<256xf32, #tpu.memory_space<vmem_shared>>
      tpu.enqueue_dma source(%dma_start3A_758 : memref<256xf32, #tpu.memory_space<vmem_shared>>) target(%dma_start3A_757 : memref<256xf32, #tpu.memory_space<vmem>>) target_semaphore(%arg12 : memref<!tpu.dma_semaphore, #tpu.memory_space<semaphore_mem>>)
      %slice3A_759 = vector.extract_strided_slice %add3A_734 {offsets = [2], sizes = [1], strides = [1]} : vector<16xi32> to vector<1xi32>
      %reshape3A_760 = vector.extract %slice3A_759[0] : i32 from vector<1xi32>
      %multiple_of3A_761 = tpu.assume_multiple %reshape3A_760, 256 : i32
      %dma_start3A_762 = arith.constant 2 : i32
      %dma_start3A_763 = arith.constant 0 : i32
      %dma_start3A_764 = tpu.memref_slice %arg8[%dma_start3A_762, %dma_start3A_763] : memref<16x256xf32, #tpu.memory_space<vmem>> -> memref<1x256xf32, #tpu.memory_space<vmem>>
      %dma_start3A_765 = tpu.memref_squeeze %dma_start3A_764 : memref<1x256xf32, #tpu.memory_space<vmem>> -> memref<256xf32, #tpu.memory_space<vmem>>
      %dma_start3A_766 = tpu.memref_slice %arg5[%multiple_of3A_761] : memref<655360xf32, #tpu.memory_space<vmem_shared>> -> memref<256xf32, #tpu.memory_space<vmem_shared>>
      %dma_start3A_767 = arith.constant 0 : i32
      %dma_start3A_768 = tpu.memref_slice %arg8[%dma_start3A_762, %dma_start3A_767] : memref<16x256xf32, #tpu.memory_space<vmem>> -> memref<1x256xf32, #tpu.memory_space<vmem>>
      %dma_start3A_769 = tpu.memref_squeeze %dma_start3A_768 : memref<1x256xf32, #tpu.memory_space<vmem>> -> memref<256xf32, #tpu.memory_space<vmem>>
      %dma_start3A_770 = tpu.memref_slice %arg5[%multiple_of3A_761] : memref<655360xf32, #tpu.memory_space<vmem_shared>> -> memref<256xf32, #tpu.memory_space<vmem_shared>>
      tpu.enqueue_dma source(%dma_start3A_770 : memref<256xf32, #tpu.memory_space<vmem_shared>>) target(%dma_start3A_769 : memref<256xf32, #tpu.memory_space<vmem>>) target_semaphore(%arg12 : memref<!tpu.dma_semaphore, #tpu.memory_space<semaphore_mem>>)
      %slice3A_771 = vector.extract_strided_slice %add3A_734 {offsets = [3], sizes = [1], strides = [1]} : vector<16xi32> to vector<1xi32>
      %reshape3A_772 = vector.extract %slice3A_771[0] : i32 from vector<1xi32>
      %multiple_of3A_773 = tpu.assume_multiple %reshape3A_772, 256 : i32
      %dma_start3A_774 = arith.constant 3 : i32
      %dma_start3A_775 = arith.constant 0 : i32
      %dma_start3A_776 = tpu.memref_slice %arg8[%dma_start3A_774, %dma_start3A_775] : memref<16x256xf32, #tpu.memory_space<vmem>> -> memref<1x256xf32, #tpu.memory_space<vmem>>
      %dma_start3A_777 = tpu.memref_squeeze %dma_start3A_776 : memref<1x256xf32, #tpu.memory_space<vmem>> -> memref<256xf32, #tpu.memory_space<vmem>>
      %dma_start3A_778 = tpu.memref_slice %arg5[%multiple_of3A_773] : memref<655360xf32, #tpu.memory_space<vmem_shared>> -> memref<256xf32, #tpu.memory_space<vmem_shared>>
      %dma_start3A_779 = arith.constant 0 : i32
      %dma_start3A_780 = tpu.memref_slice %arg8[%dma_start3A_774, %dma_start3A_779] : memref<16x256xf32, #tpu.memory_space<vmem>> -> memref<1x256xf32, #tpu.memory_space<vmem>>
      %dma_start3A_781 = tpu.memref_squeeze %dma_start3A_780 : memref<1x256xf32, #tpu.memory_space<vmem>> -> memref<256xf32, #tpu.memory_space<vmem>>
      %dma_start3A_782 = tpu.memref_slice %arg5[%multiple_of3A_773] : memref<655360xf32, #tpu.memory_space<vmem_shared>> -> memref<256xf32, #tpu.memory_space<vmem_shared>>
      tpu.enqueue_dma source(%dma_start3A_782 : memref<256xf32, #tpu.memory_space<vmem_shared>>) target(%dma_start3A_781 : memref<256xf32, #tpu.memory_space<vmem>>) target_semaphore(%arg12 : memref<!tpu.dma_semaphore, #tpu.memory_space<semaphore_mem>>)
      %slice3A_783 = vector.extract_strided_slice %add3A_734 {offsets = [4], sizes = [1], strides = [1]} : vector<16xi32> to vector<1xi32>
      %reshape3A_784 = vector.extract %slice3A_783[0] : i32 from vector<1xi32>
      %multiple_of3A_785 = tpu.assume_multiple %reshape3A_784, 256 : i32
      %dma_start3A_786 = arith.constant 4 : i32
      %dma_start3A_787 = arith.constant 0 : i32
      %dma_start3A_788 = tpu.memref_slice %arg8[%dma_start3A_786, %dma_start3A_787] : memref<16x256xf32, #tpu.memory_space<vmem>> -> memref<1x256xf32, #tpu.memory_space<vmem>>
      %dma_start3A_789 = tpu.memref_squeeze %dma_start3A_788 : memref<1x256xf32, #tpu.memory_space<vmem>> -> memref<256xf32, #tpu.memory_space<vmem>>
      %dma_start3A_790 = tpu.memref_slice %arg5[%multiple_of3A_785] : memref<655360xf32, #tpu.memory_space<vmem_shared>> -> memref<256xf32, #tpu.memory_space<vmem_shared>>
      %dma_start3A_791 = arith.constant 0 : i32
      %dma_start3A_792 = tpu.memref_slice %arg8[%dma_start3A_786, %dma_start3A_791] : memref<16x256xf32, #tpu.memory_space<vmem>> -> memref<1x256xf32, #tpu.memory_space<vmem>>
      %dma_start3A_793 = tpu.memref_squeeze %dma_start3A_792 : memref<1x256xf32, #tpu.memory_space<vmem>> -> memref<256xf32, #tpu.memory_space<vmem>>
      %dma_start3A_794 = tpu.memref_slice %arg5[%multiple_of3A_785] : memref<655360xf32, #tpu.memory_space<vmem_shared>> -> memref<256xf32, #tpu.memory_space<vmem_shared>>
      tpu.enqueue_dma source(%dma_start3A_794 : memref<256xf32, #tpu.memory_space<vmem_shared>>) target(%dma_start3A_793 : memref<256xf32, #tpu.memory_space<vmem>>) target_semaphore(%arg12 : memref<!tpu.dma_semaphore, #tpu.memory_space<semaphore_mem>>)
      %slice3A_795 = vector.extract_strided_slice %add3A_734 {offsets = [5], sizes = [1], strides = [1]} : vector<16xi32> to vector<1xi32>
      %reshape3A_796 = vector.extract %slice3A_795[0] : i32 from vector<1xi32>
      %multiple_of3A_797 = tpu.assume_multiple %reshape3A_796, 256 : i32
      %dma_start3A_798 = arith.constant 5 : i32
      %dma_start3A_799 = arith.constant 0 : i32
      %dma_start3A_800 = tpu.memref_slice %arg8[%dma_start3A_798, %dma_start3A_799] : memref<16x256xf32, #tpu.memory_space<vmem>> -> memref<1x256xf32, #tpu.memory_space<vmem>>
      %dma_start3A_801 = tpu.memref_squeeze %dma_start3A_800 : memref<1x256xf32, #tpu.memory_space<vmem>> -> memref<256xf32, #tpu.memory_space<vmem>>
      %dma_start3A_802 = tpu.memref_slice %arg5[%multiple_of3A_797] : memref<655360xf32, #tpu.memory_space<vmem_shared>> -> memref<256xf32, #tpu.memory_space<vmem_shared>>
      %dma_start3A_803 = arith.constant 0 : i32
      %dma_start3A_804 = tpu.memref_slice %arg8[%dma_start3A_798, %dma_start3A_803] : memref<16x256xf32, #tpu.memory_space<vmem>> -> memref<1x256xf32, #tpu.memory_space<vmem>>
      %dma_start3A_805 = tpu.memref_squeeze %dma_start3A_804 : memref<1x256xf32, #tpu.memory_space<vmem>> -> memref<256xf32, #tpu.memory_space<vmem>>
      %dma_start3A_806 = tpu.memref_slice %arg5[%multiple_of3A_797] : memref<655360xf32, #tpu.memory_space<vmem_shared>> -> memref<256xf32, #tpu.memory_space<vmem_shared>>
      tpu.enqueue_dma source(%dma_start3A_806 : memref<256xf32, #tpu.memory_space<vmem_shared>>) target(%dma_start3A_805 : memref<256xf32, #tpu.memory_space<vmem>>) target_semaphore(%arg12 : memref<!tpu.dma_semaphore, #tpu.memory_space<semaphore_mem>>)
      %slice3A_807 = vector.extract_strided_slice %add3A_734 {offsets = [6], sizes = [1], strides = [1]} : vector<16xi32> to vector<1xi32>
      %reshape3A_808 = vector.extract %slice3A_807[0] : i32 from vector<1xi32>
      %multiple_of3A_809 = tpu.assume_multiple %reshape3A_808, 256 : i32
      %dma_start3A_810 = arith.constant 6 : i32
      %dma_start3A_811 = arith.constant 0 : i32
      %dma_start3A_812 = tpu.memref_slice %arg8[%dma_start3A_810, %dma_start3A_811] : memref<16x256xf32, #tpu.memory_space<vmem>> -> memref<1x256xf32, #tpu.memory_space<vmem>>
      %dma_start3A_813 = tpu.memref_squeeze %dma_start3A_812 : memref<1x256xf32, #tpu.memory_space<vmem>> -> memref<256xf32, #tpu.memory_space<vmem>>
      %dma_start3A_814 = tpu.memref_slice %arg5[%multiple_of3A_809] : memref<655360xf32, #tpu.memory_space<vmem_shared>> -> memref<256xf32, #tpu.memory_space<vmem_shared>>
      %dma_start3A_815 = arith.constant 0 : i32
      %dma_start3A_816 = tpu.memref_slice %arg8[%dma_start3A_810, %dma_start3A_815] : memref<16x256xf32, #tpu.memory_space<vmem>> -> memref<1x256xf32, #tpu.memory_space<vmem>>
      %dma_start3A_817 = tpu.memref_squeeze %dma_start3A_816 : memref<1x256xf32, #tpu.memory_space<vmem>> -> memref<256xf32, #tpu.memory_space<vmem>>
      %dma_start3A_818 = tpu.memref_slice %arg5[%multiple_of3A_809] : memref<655360xf32, #tpu.memory_space<vmem_shared>> -> memref<256xf32, #tpu.memory_space<vmem_shared>>
      tpu.enqueue_dma source(%dma_start3A_818 : memref<256xf32, #tpu.memory_space<vmem_shared>>) target(%dma_start3A_817 : memref<256xf32, #tpu.memory_space<vmem>>) target_semaphore(%arg12 : memref<!tpu.dma_semaphore, #tpu.memory_space<semaphore_mem>>)
      %slice3A_819 = vector.extract_strided_slice %add3A_734 {offsets = [7], sizes = [1], strides = [1]} : vector<16xi32> to vector<1xi32>
      %reshape3A_820 = vector.extract %slice3A_819[0] : i32 from vector<1xi32>
      %multiple_of3A_821 = tpu.assume_multiple %reshape3A_820, 256 : i32
      %dma_start3A_822 = arith.constant 7 : i32
      %dma_start3A_823 = arith.constant 0 : i32
      %dma_start3A_824 = tpu.memref_slice %arg8[%dma_start3A_822, %dma_start3A_823] : memref<16x256xf32, #tpu.memory_space<vmem>> -> memref<1x256xf32, #tpu.memory_space<vmem>>
      %dma_start3A_825 = tpu.memref_squeeze %dma_start3A_824 : memref<1x256xf32, #tpu.memory_space<vmem>> -> memref<256xf32, #tpu.memory_space<vmem>>
      %dma_start3A_826 = tpu.memref_slice %arg5[%multiple_of3A_821] : memref<655360xf32, #tpu.memory_space<vmem_shared>> -> memref<256xf32, #tpu.memory_space<vmem_shared>>
      %dma_start3A_827 = arith.constant 0 : i32
      %dma_start3A_828 = tpu.memref_slice %arg8[%dma_start3A_822, %dma_start3A_827] : memref<16x256xf32, #tpu.memory_space<vmem>> -> memref<1x256xf32, #tpu.memory_space<vmem>>
      %dma_start3A_829 = tpu.memref_squeeze %dma_start3A_828 : memref<1x256xf32, #tpu.memory_space<vmem>> -> memref<256xf32, #tpu.memory_space<vmem>>
      %dma_start3A_830 = tpu.memref_slice %arg5[%multiple_of3A_821] : memref<655360xf32, #tpu.memory_space<vmem_shared>> -> memref<256xf32, #tpu.memory_space<vmem_shared>>
      tpu.enqueue_dma source(%dma_start3A_830 : memref<256xf32, #tpu.memory_space<vmem_shared>>) target(%dma_start3A_829 : memref<256xf32, #tpu.memory_space<vmem>>) target_semaphore(%arg12 : memref<!tpu.dma_semaphore, #tpu.memory_space<semaphore_mem>>)
      %slice3A_831 = vector.extract_strided_slice %add3A_734 {offsets = [8], sizes = [1], strides = [1]} : vector<16xi32> to vector<1xi32>
      %reshape3A_832 = vector.extract %slice3A_831[0] : i32 from vector<1xi32>
      %multiple_of3A_833 = tpu.assume_multiple %reshape3A_832, 256 : i32
      %dma_start3A_834 = arith.constant 8 : i32
      %dma_start3A_835 = arith.constant 0 : i32
      %dma_start3A_836 = tpu.memref_slice %arg8[%dma_start3A_834, %dma_start3A_835] : memref<16x256xf32, #tpu.memory_space<vmem>> -> memref<1x256xf32, #tpu.memory_space<vmem>>
      %dma_start3A_837 = tpu.memref_squeeze %dma_start3A_836 : memref<1x256xf32, #tpu.memory_space<vmem>> -> memref<256xf32, #tpu.memory_space<vmem>>
      %dma_start3A_838 = tpu.memref_slice %arg5[%multiple_of3A_833] : memref<655360xf32, #tpu.memory_space<vmem_shared>> -> memref<256xf32, #tpu.memory_space<vmem_shared>>
      %dma_start3A_839 = arith.constant 0 : i32
      %dma_start3A_840 = tpu.memref_slice %arg8[%dma_start3A_834, %dma_start3A_839] : memref<16x256xf32, #tpu.memory_space<vmem>> -> memref<1x256xf32, #tpu.memory_space<vmem>>
      %dma_start3A_841 = tpu.memref_squeeze %dma_start3A_840 : memref<1x256xf32, #tpu.memory_space<vmem>> -> memref<256xf32, #tpu.memory_space<vmem>>
      %dma_start3A_842 = tpu.memref_slice %arg5[%multiple_of3A_833] : memref<655360xf32, #tpu.memory_space<vmem_shared>> -> memref<256xf32, #tpu.memory_space<vmem_shared>>
      tpu.enqueue_dma source(%dma_start3A_842 : memref<256xf32, #tpu.memory_space<vmem_shared>>) target(%dma_start3A_841 : memref<256xf32, #tpu.memory_space<vmem>>) target_semaphore(%arg12 : memref<!tpu.dma_semaphore, #tpu.memory_space<semaphore_mem>>)
      %slice3A_843 = vector.extract_strided_slice %add3A_734 {offsets = [9], sizes = [1], strides = [1]} : vector<16xi32> to vector<1xi32>
      %reshape3A_844 = vector.extract %slice3A_843[0] : i32 from vector<1xi32>
      %multiple_of3A_845 = tpu.assume_multiple %reshape3A_844, 256 : i32
      %dma_start3A_846 = arith.constant 9 : i32
      %dma_start3A_847 = arith.constant 0 : i32
      %dma_start3A_848 = tpu.memref_slice %arg8[%dma_start3A_846, %dma_start3A_847] : memref<16x256xf32, #tpu.memory_space<vmem>> -> memref<1x256xf32, #tpu.memory_space<vmem>>
      %dma_start3A_849 = tpu.memref_squeeze %dma_start3A_848 : memref<1x256xf32, #tpu.memory_space<vmem>> -> memref<256xf32, #tpu.memory_space<vmem>>
      %dma_start3A_850 = tpu.memref_slice %arg5[%multiple_of3A_845] : memref<655360xf32, #tpu.memory_space<vmem_shared>> -> memref<256xf32, #tpu.memory_space<vmem_shared>>
      %dma_start3A_851 = arith.constant 0 : i32
      %dma_start3A_852 = tpu.memref_slice %arg8[%dma_start3A_846, %dma_start3A_851] : memref<16x256xf32, #tpu.memory_space<vmem>> -> memref<1x256xf32, #tpu.memory_space<vmem>>
      %dma_start3A_853 = tpu.memref_squeeze %dma_start3A_852 : memref<1x256xf32, #tpu.memory_space<vmem>> -> memref<256xf32, #tpu.memory_space<vmem>>
      %dma_start3A_854 = tpu.memref_slice %arg5[%multiple_of3A_845] : memref<655360xf32, #tpu.memory_space<vmem_shared>> -> memref<256xf32, #tpu.memory_space<vmem_shared>>
      tpu.enqueue_dma source(%dma_start3A_854 : memref<256xf32, #tpu.memory_space<vmem_shared>>) target(%dma_start3A_853 : memref<256xf32, #tpu.memory_space<vmem>>) target_semaphore(%arg12 : memref<!tpu.dma_semaphore, #tpu.memory_space<semaphore_mem>>)
      %slice3A_855 = vector.extract_strided_slice %add3A_734 {offsets = [10], sizes = [1], strides = [1]} : vector<16xi32> to vector<1xi32>
      %reshape3A_856 = vector.extract %slice3A_855[0] : i32 from vector<1xi32>
      %multiple_of3A_857 = tpu.assume_multiple %reshape3A_856, 256 : i32
      %dma_start3A_858 = arith.constant 10 : i32
      %dma_start3A_859 = arith.constant 0 : i32
      %dma_start3A_860 = tpu.memref_slice %arg8[%dma_start3A_858, %dma_start3A_859] : memref<16x256xf32, #tpu.memory_space<vmem>> -> memref<1x256xf32, #tpu.memory_space<vmem>>
      %dma_start3A_861 = tpu.memref_squeeze %dma_start3A_860 : memref<1x256xf32, #tpu.memory_space<vmem>> -> memref<256xf32, #tpu.memory_space<vmem>>
      %dma_start3A_862 = tpu.memref_slice %arg5[%multiple_of3A_857] : memref<655360xf32, #tpu.memory_space<vmem_shared>> -> memref<256xf32, #tpu.memory_space<vmem_shared>>
      %dma_start3A_863 = arith.constant 0 : i32
      %dma_start3A_864 = tpu.memref_slice %arg8[%dma_start3A_858, %dma_start3A_863] : memref<16x256xf32, #tpu.memory_space<vmem>> -> memref<1x256xf32, #tpu.memory_space<vmem>>
      %dma_start3A_865 = tpu.memref_squeeze %dma_start3A_864 : memref<1x256xf32, #tpu.memory_space<vmem>> -> memref<256xf32, #tpu.memory_space<vmem>>
      %dma_start3A_866 = tpu.memref_slice %arg5[%multiple_of3A_857] : memref<655360xf32, #tpu.memory_space<vmem_shared>> -> memref<256xf32, #tpu.memory_space<vmem_shared>>
      tpu.enqueue_dma source(%dma_start3A_866 : memref<256xf32, #tpu.memory_space<vmem_shared>>) target(%dma_start3A_865 : memref<256xf32, #tpu.memory_space<vmem>>) target_semaphore(%arg12 : memref<!tpu.dma_semaphore, #tpu.memory_space<semaphore_mem>>)
      %slice3A_867 = vector.extract_strided_slice %add3A_734 {offsets = [11], sizes = [1], strides = [1]} : vector<16xi32> to vector<1xi32>
      %reshape3A_868 = vector.extract %slice3A_867[0] : i32 from vector<1xi32>
      %multiple_of3A_869 = tpu.assume_multiple %reshape3A_868, 256 : i32
      %dma_start3A_870 = arith.constant 11 : i32
      %dma_start3A_871 = arith.constant 0 : i32
      %dma_start3A_872 = tpu.memref_slice %arg8[%dma_start3A_870, %dma_start3A_871] : memref<16x256xf32, #tpu.memory_space<vmem>> -> memref<1x256xf32, #tpu.memory_space<vmem>>
      %dma_start3A_873 = tpu.memref_squeeze %dma_start3A_872 : memref<1x256xf32, #tpu.memory_space<vmem>> -> memref<256xf32, #tpu.memory_space<vmem>>
      %dma_start3A_874 = tpu.memref_slice %arg5[%multiple_of3A_869] : memref<655360xf32, #tpu.memory_space<vmem_shared>> -> memref<256xf32, #tpu.memory_space<vmem_shared>>
      %dma_start3A_875 = arith.constant 0 : i32
      %dma_start3A_876 = tpu.memref_slice %arg8[%dma_start3A_870, %dma_start3A_875] : memref<16x256xf32, #tpu.memory_space<vmem>> -> memref<1x256xf32, #tpu.memory_space<vmem>>
      %dma_start3A_877 = tpu.memref_squeeze %dma_start3A_876 : memref<1x256xf32, #tpu.memory_space<vmem>> -> memref<256xf32, #tpu.memory_space<vmem>>
      %dma_start3A_878 = tpu.memref_slice %arg5[%multiple_of3A_869] : memref<655360xf32, #tpu.memory_space<vmem_shared>> -> memref<256xf32, #tpu.memory_space<vmem_shared>>
      tpu.enqueue_dma source(%dma_start3A_878 : memref<256xf32, #tpu.memory_space<vmem_shared>>) target(%dma_start3A_877 : memref<256xf32, #tpu.memory_space<vmem>>) target_semaphore(%arg12 : memref<!tpu.dma_semaphore, #tpu.memory_space<semaphore_mem>>)
      %slice3A_879 = vector.extract_strided_slice %add3A_734 {offsets = [12], sizes = [1], strides = [1]} : vector<16xi32> to vector<1xi32>
      %reshape3A_880 = vector.extract %slice3A_879[0] : i32 from vector<1xi32>
      %multiple_of3A_881 = tpu.assume_multiple %reshape3A_880, 256 : i32
      %dma_start3A_882 = arith.constant 12 : i32
      %dma_start3A_883 = arith.constant 0 : i32
      %dma_start3A_884 = tpu.memref_slice %arg8[%dma_start3A_882, %dma_start3A_883] : memref<16x256xf32, #tpu.memory_space<vmem>> -> memref<1x256xf32, #tpu.memory_space<vmem>>
      %dma_start3A_885 = tpu.memref_squeeze %dma_start3A_884 : memref<1x256xf32, #tpu.memory_space<vmem>> -> memref<256xf32, #tpu.memory_space<vmem>>
      %dma_start3A_886 = tpu.memref_slice %arg5[%multiple_of3A_881] : memref<655360xf32, #tpu.memory_space<vmem_shared>> -> memref<256xf32, #tpu.memory_space<vmem_shared>>
      %dma_start3A_887 = arith.constant 0 : i32
      %dma_start3A_888 = tpu.memref_slice %arg8[%dma_start3A_882, %dma_start3A_887] : memref<16x256xf32, #tpu.memory_space<vmem>> -> memref<1x256xf32, #tpu.memory_space<vmem>>
      %dma_start3A_889 = tpu.memref_squeeze %dma_start3A_888 : memref<1x256xf32, #tpu.memory_space<vmem>> -> memref<256xf32, #tpu.memory_space<vmem>>
      %dma_start3A_890 = tpu.memref_slice %arg5[%multiple_of3A_881] : memref<655360xf32, #tpu.memory_space<vmem_shared>> -> memref<256xf32, #tpu.memory_space<vmem_shared>>
      tpu.enqueue_dma source(%dma_start3A_890 : memref<256xf32, #tpu.memory_space<vmem_shared>>) target(%dma_start3A_889 : memref<256xf32, #tpu.memory_space<vmem>>) target_semaphore(%arg12 : memref<!tpu.dma_semaphore, #tpu.memory_space<semaphore_mem>>)
      %slice3A_891 = vector.extract_strided_slice %add3A_734 {offsets = [13], sizes = [1], strides = [1]} : vector<16xi32> to vector<1xi32>
      %reshape3A_892 = vector.extract %slice3A_891[0] : i32 from vector<1xi32>
      %multiple_of3A_893 = tpu.assume_multiple %reshape3A_892, 256 : i32
      %dma_start3A_894 = arith.constant 13 : i32
      %dma_start3A_895 = arith.constant 0 : i32
      %dma_start3A_896 = tpu.memref_slice %arg8[%dma_start3A_894, %dma_start3A_895] : memref<16x256xf32, #tpu.memory_space<vmem>> -> memref<1x256xf32, #tpu.memory_space<vmem>>
      %dma_start3A_897 = tpu.memref_squeeze %dma_start3A_896 : memref<1x256xf32, #tpu.memory_space<vmem>> -> memref<256xf32, #tpu.memory_space<vmem>>
      %dma_start3A_898 = tpu.memref_slice %arg5[%multiple_of3A_893] : memref<655360xf32, #tpu.memory_space<vmem_shared>> -> memref<256xf32, #tpu.memory_space<vmem_shared>>
      %dma_start3A_899 = arith.constant 0 : i32
      %dma_start3A_900 = tpu.memref_slice %arg8[%dma_start3A_894, %dma_start3A_899] : memref<16x256xf32, #tpu.memory_space<vmem>> -> memref<1x256xf32, #tpu.memory_space<vmem>>
      %dma_start3A_901 = tpu.memref_squeeze %dma_start3A_900 : memref<1x256xf32, #tpu.memory_space<vmem>> -> memref<256xf32, #tpu.memory_space<vmem>>
      %dma_start3A_902 = tpu.memref_slice %arg5[%multiple_of3A_893] : memref<655360xf32, #tpu.memory_space<vmem_shared>> -> memref<256xf32, #tpu.memory_space<vmem_shared>>
      tpu.enqueue_dma source(%dma_start3A_902 : memref<256xf32, #tpu.memory_space<vmem_shared>>) target(%dma_start3A_901 : memref<256xf32, #tpu.memory_space<vmem>>) target_semaphore(%arg12 : memref<!tpu.dma_semaphore, #tpu.memory_space<semaphore_mem>>)
      %slice3A_903 = vector.extract_strided_slice %add3A_734 {offsets = [14], sizes = [1], strides = [1]} : vector<16xi32> to vector<1xi32>
      %reshape3A_904 = vector.extract %slice3A_903[0] : i32 from vector<1xi32>
      %multiple_of3A_905 = tpu.assume_multiple %reshape3A_904, 256 : i32
      %dma_start3A_906 = arith.constant 14 : i32
      %dma_start3A_907 = arith.constant 0 : i32
      %dma_start3A_908 = tpu.memref_slice %arg8[%dma_start3A_906, %dma_start3A_907] : memref<16x256xf32, #tpu.memory_space<vmem>> -> memref<1x256xf32, #tpu.memory_space<vmem>>
      %dma_start3A_909 = tpu.memref_squeeze %dma_start3A_908 : memref<1x256xf32, #tpu.memory_space<vmem>> -> memref<256xf32, #tpu.memory_space<vmem>>
      %dma_start3A_910 = tpu.memref_slice %arg5[%multiple_of3A_905] : memref<655360xf32, #tpu.memory_space<vmem_shared>> -> memref<256xf32, #tpu.memory_space<vmem_shared>>
      %dma_start3A_911 = arith.constant 0 : i32
      %dma_start3A_912 = tpu.memref_slice %arg8[%dma_start3A_906, %dma_start3A_911] : memref<16x256xf32, #tpu.memory_space<vmem>> -> memref<1x256xf32, #tpu.memory_space<vmem>>
      %dma_start3A_913 = tpu.memref_squeeze %dma_start3A_912 : memref<1x256xf32, #tpu.memory_space<vmem>> -> memref<256xf32, #tpu.memory_space<vmem>>
      %dma_start3A_914 = tpu.memref_slice %arg5[%multiple_of3A_905] : memref<655360xf32, #tpu.memory_space<vmem_shared>> -> memref<256xf32, #tpu.memory_space<vmem_shared>>
      tpu.enqueue_dma source(%dma_start3A_914 : memref<256xf32, #tpu.memory_space<vmem_shared>>) target(%dma_start3A_913 : memref<256xf32, #tpu.memory_space<vmem>>) target_semaphore(%arg12 : memref<!tpu.dma_semaphore, #tpu.memory_space<semaphore_mem>>)
      %slice3A_915 = vector.extract_strided_slice %add3A_734 {offsets = [15], sizes = [1], strides = [1]} : vector<16xi32> to vector<1xi32>
      %reshape3A_916 = vector.extract %slice3A_915[0] : i32 from vector<1xi32>
      %multiple_of3A_917 = tpu.assume_multiple %reshape3A_916, 256 : i32
      %dma_start3A_918 = arith.constant 15 : i32
      %dma_start3A_919 = arith.constant 0 : i32
      %dma_start3A_920 = tpu.memref_slice %arg8[%dma_start3A_918, %dma_start3A_919] : memref<16x256xf32, #tpu.memory_space<vmem>> -> memref<1x256xf32, #tpu.memory_space<vmem>>
      %dma_start3A_921 = tpu.memref_squeeze %dma_start3A_920 : memref<1x256xf32, #tpu.memory_space<vmem>> -> memref<256xf32, #tpu.memory_space<vmem>>
      %dma_start3A_922 = tpu.memref_slice %arg5[%multiple_of3A_917] : memref<655360xf32, #tpu.memory_space<vmem_shared>> -> memref<256xf32, #tpu.memory_space<vmem_shared>>
      %dma_start3A_923 = arith.constant 0 : i32
      %dma_start3A_924 = tpu.memref_slice %arg8[%dma_start3A_918, %dma_start3A_923] : memref<16x256xf32, #tpu.memory_space<vmem>> -> memref<1x256xf32, #tpu.memory_space<vmem>>
      %dma_start3A_925 = tpu.memref_squeeze %dma_start3A_924 : memref<1x256xf32, #tpu.memory_space<vmem>> -> memref<256xf32, #tpu.memory_space<vmem>>
      %dma_start3A_926 = tpu.memref_slice %arg5[%multiple_of3A_917] : memref<655360xf32, #tpu.memory_space<vmem_shared>> -> memref<256xf32, #tpu.memory_space<vmem_shared>>
      tpu.enqueue_dma source(%dma_start3A_926 : memref<256xf32, #tpu.memory_space<vmem_shared>>) target(%dma_start3A_925 : memref<256xf32, #tpu.memory_space<vmem>>) target_semaphore(%arg12 : memref<!tpu.dma_semaphore, #tpu.memory_space<semaphore_mem>>)
      %dma_wait3A_927 = arith.constant 0 : i32
      %dma_wait3A_928 = arith.constant 0 : i32
      %dma_wait3A_929 = tpu.memref_slice %arg4[%dma_wait3A_927, %dma_wait3A_928] : memref<524288x256xf32, #tpu.memory_space<hbm>> -> memref<16x256xf32, #tpu.memory_space<hbm>>
      %dma_wait3A_930 = arith.constant 0 : i32
      %dma_wait3A_931 = arith.constant 0 : i32
      %dma_wait3A_932 = tpu.memref_slice %arg4[%dma_wait3A_930, %dma_wait3A_931] : memref<524288x256xf32, #tpu.memory_space<hbm>> -> memref<16x256xf32, #tpu.memory_space<hbm>>
      tpu.wait_dma2 semaphore(%arg12 : memref<!tpu.dma_semaphore, #tpu.memory_space<semaphore_mem>>) src(%dma_wait3A_932 : memref<16x256xf32, #tpu.memory_space<hbm>>) dst(%arg8 : memref<16x256xf32, #tpu.memory_space<vmem>>)
      %mul3A_933 = arith.constant 512 : i32
      %mul3A_934 = arith.muli %add3A_712, %mul3A_933 : i32
      %add3A_935 = arith.addi %mul3A_934, %mul3A_2 : i32
      %dma_start3A_936 = arith.constant 0 : i32
      %dma_start3A_937 = tpu.memref_slice %arg4[%add3A_935, %dma_start3A_936] : memref<524288x256xf32, #tpu.memory_space<hbm>> -> memref<16x256xf32, #tpu.memory_space<hbm>>
      %dma_start3A_938 = arith.constant 0 : i32
      %dma_start3A_939 = tpu.memref_slice %arg4[%add3A_935, %dma_start3A_938] : memref<524288x256xf32, #tpu.memory_space<hbm>> -> memref<16x256xf32, #tpu.memory_space<hbm>>
      tpu.enqueue_dma source(%arg8 : memref<16x256xf32, #tpu.memory_space<vmem>>) target(%dma_start3A_939 : memref<16x256xf32, #tpu.memory_space<hbm>>) target_semaphore(%arg11 : memref<!tpu.dma_semaphore, #tpu.memory_space<semaphore_mem>>)
      %scan3A_940 = arith.constant 0 : i32
      scf.yield %scan3A_940 : i32
    }
    %scan3A_464 = arith.constant 511 : i32
    %add3A_465 = arith.constant 523264 : i32
    %add3A_466 = arith.addi %add3A_465, %mul3A_2 : i32
    %dma_wait3A_467 = arith.constant 0 : i32
    %dma_wait3A_468 = tpu.memref_slice %arg4[%add3A_466, %dma_wait3A_467] : memref<524288x256xf32, #tpu.memory_space<hbm>> -> memref<16x256xf32, #tpu.memory_space<hbm>>
    %dma_wait3A_469 = arith.constant 0 : i32
    %dma_wait3A_470 = tpu.memref_slice %arg4[%add3A_466, %dma_wait3A_469] : memref<524288x256xf32, #tpu.memory_space<hbm>> -> memref<16x256xf32, #tpu.memory_space<hbm>>
    tpu.wait_dma2 semaphore(%arg10 : memref<!tpu.dma_semaphore, #tpu.memory_space<semaphore_mem>>) src(%arg7 : memref<16x256xf32, #tpu.memory_space<vmem>>) dst(%dma_wait3A_470 : memref<16x256xf32, #tpu.memory_space<hbm>>)
    %add3A_471 = arith.constant 523776 : i32
    %add3A_472 = arith.addi %add3A_471, %mul3A_2 : i32
    %dma_wait3A_473 = arith.constant 0 : i32
    %dma_wait3A_474 = tpu.memref_slice %arg4[%add3A_472, %dma_wait3A_473] : memref<524288x256xf32, #tpu.memory_space<hbm>> -> memref<16x256xf32, #tpu.memory_space<hbm>>
    %dma_wait3A_475 = arith.constant 0 : i32
    %dma_wait3A_476 = tpu.memref_slice %arg4[%add3A_472, %dma_wait3A_475] : memref<524288x256xf32, #tpu.memory_space<hbm>> -> memref<16x256xf32, #tpu.memory_space<hbm>>
    tpu.wait_dma2 semaphore(%arg11 : memref<!tpu.dma_semaphore, #tpu.memory_space<semaphore_mem>>) src(%arg8 : memref<16x256xf32, #tpu.memory_space<vmem>>) dst(%dma_wait3A_476 : memref<16x256xf32, #tpu.memory_space<hbm>>)
    return
  }
}

module attributes {stable_mosaic.version = 14 : i64} {
  func.func @_combine_win_kernel(%arg0: memref<5x256xf32, #tpu.memory_space<vmem>>, %arg1: memref<512x256xf32, #tpu.memory_space<vmem>>, %arg2: memref<256xf32, #tpu.memory_space<vmem>>, %arg3: memref<256xf32, #tpu.memory_space<vmem>>, %arg4: memref<32x5x16x256xf32, #tpu.memory_space<vmem>>) attributes {dimension_semantics = [], scalar_prefetch = 0 : i64, scratch_operands = 0 : i64, tpu.core_type = #tpu.core_type<tc>} {
    %get3A = arith.constant 0 : index
    %get3A_0 = arith.constant 0 : index
    %get3A_1 = vector.load %arg0[%get3A, %get3A_0] : memref<5x256xf32, #tpu.memory_space<vmem>>, vector<5x256xf32>
    %broadcast_in_dim3A = vector.shape_cast %get3A_1 : vector<5x256xf32> to vector<5x1x256xf32>
    %get3A_2 = arith.constant 0 : index
    %get3A_3 = arith.constant 0 : index
    %get3A_4 = vector.load %arg1[%get3A_2, %get3A_3] : memref<512x256xf32, #tpu.memory_space<vmem>>, vector<512x256xf32>
    %broadcast_in_dim3A_5 = vector.shape_cast %get3A_4 : vector<512x256xf32> to vector<1x512x256xf32>
    %add3A = vector.broadcast %broadcast_in_dim3A : vector<5x1x256xf32> to vector<5x512x256xf32>
    %add3A_6 = vector.broadcast %broadcast_in_dim3A_5 : vector<1x512x256xf32> to vector<5x512x256xf32>
    %add3A_7 = arith.addf %add3A, %add3A_6 : vector<5x512x256xf32>
    %reduce_sum3A = arith.constant dense<0.000000e+00> : vector<5x512xf32>
    %reduce_sum3A_8 = vector.multi_reduction <add>, %add3A_7, %reduce_sum3A [2] : vector<5x512x256xf32> to vector<5x512xf32>
    %broadcast_in_dim3A_9 = vector.shape_cast %reduce_sum3A_8 : vector<5x512xf32> to vector<5x512x1xf32>
    %div3A = arith.constant 2.560000e+02 : f32
    %div3A_10 = vector.broadcast %div3A : f32 to vector<5x512x1xf32>
    %div3A_11 = arith.divf %broadcast_in_dim3A_9, %div3A_10 : vector<5x512x1xf32>
    %sub3A = vector.broadcast %div3A_11 : vector<5x512x1xf32> to vector<5x512x256xf32>
    %sub3A_12 = arith.subf %add3A_7, %sub3A : vector<5x512x256xf32>
    %square3A = arith.mulf %sub3A_12, %sub3A_12 : vector<5x512x256xf32>
    %reduce_sum3A_13 = arith.constant dense<0.000000e+00> : vector<5x512xf32>
    %reduce_sum3A_14 = vector.multi_reduction <add>, %square3A, %reduce_sum3A_13 [2] : vector<5x512x256xf32> to vector<5x512xf32>
    %broadcast_in_dim3A_15 = vector.shape_cast %reduce_sum3A_14 : vector<5x512xf32> to vector<5x512x1xf32>
    %div3A_16 = arith.constant 2.560000e+02 : f32
    %div3A_17 = vector.broadcast %div3A_16 : f32 to vector<5x512x1xf32>
    %div3A_18 = arith.divf %broadcast_in_dim3A_15, %div3A_17 : vector<5x512x1xf32>
    %sub3A_19 = vector.broadcast %div3A_11 : vector<5x512x1xf32> to vector<5x512x256xf32>
    %sub3A_20 = arith.subf %add3A_7, %sub3A_19 : vector<5x512x256xf32>
    %add3A_21 = arith.constant 9.99999974E-6 : f32
    %add3A_22 = vector.broadcast %add3A_21 : f32 to vector<5x512x1xf32>
    %add3A_23 = arith.addf %div3A_18, %add3A_22 : vector<5x512x1xf32>
    %rsqrt3A = math.rsqrt %add3A_23 : vector<5x512x1xf32>
    %mul3A = vector.broadcast %rsqrt3A : vector<5x512x1xf32> to vector<5x512x256xf32>
    %mul3A_24 = arith.mulf %sub3A_20, %mul3A : vector<5x512x256xf32>
    %get3A_25 = arith.constant 0 : index
    %get3A_26 = vector.load %arg2[%get3A_25] : memref<256xf32, #tpu.memory_space<vmem>>, vector<256xf32>
    %broadcast_in_dim3A_27 = vector.shape_cast %get3A_26 : vector<256xf32> to vector<1x1x256xf32>
    %mul3A_28 = vector.broadcast %broadcast_in_dim3A_27 : vector<1x1x256xf32> to vector<5x512x256xf32>
    %mul3A_29 = arith.mulf %mul3A_24, %mul3A_28 : vector<5x512x256xf32>
    %get3A_30 = arith.constant 0 : index
    %get3A_31 = vector.load %arg3[%get3A_30] : memref<256xf32, #tpu.memory_space<vmem>>, vector<256xf32>
    %broadcast_in_dim3A_32 = vector.shape_cast %get3A_31 : vector<256xf32> to vector<1x1x256xf32>
    %add3A_33 = vector.broadcast %broadcast_in_dim3A_32 : vector<1x1x256xf32> to vector<5x512x256xf32>
    %add3A_34 = arith.addf %mul3A_29, %add3A_33 : vector<5x512x256xf32>
    %reshape3A = vector.shape_cast %add3A_34 : vector<5x512x256xf32> to vector<5x32x16x256xf32>
    %transpose3A = tpu.transpose %reshape3A, [1, 0, 2, 3] : vector<5x32x16x256xf32> -> vector<32x5x16x256xf32>
    %swap3A = arith.constant 0 : index
    %swap3A_35 = arith.constant 0 : index
    %swap3A_36 = arith.constant 0 : index
    %swap3A_37 = arith.constant 0 : index
    %swap3A_38 = vector.load %arg4[%swap3A, %swap3A_35, %swap3A_36, %swap3A_37] : memref<32x5x16x256xf32, #tpu.memory_space<vmem>>, vector<32x5x16x256xf32>
    tpu.vector_store %arg4[%swap3A, %swap3A_35, %swap3A_36, %swap3A_37], %transpose3A {strides = array<i32>} : memref<32x5x16x256xf32, #tpu.memory_space<vmem>>, vector<32x5x16x256xf32>,
    return
  }
}

</mosaic_0001>

<sc_bundles>
// kernel: kernel.4.cloned.1.call-start
scs
__scs_entry_jumppad:
0x0: {  	(pc) =	sbr.rel $0x88, $3  }
0x1: {  	(tag) =	ssettag $0x0;
	lr =	simm.s32 $0x1  }
0x2: {  	[smem:$0x3F9C] =	sst lr;
	_ =	strace $0xD0000000  }
0x3: {  	_ = 	snop  }
0x4: {  	_ = 	snop  }
0x5: {  	_ = 	snop  }
0x6: {  	_ = 	snop  }
0x7: {  	_ = 	snop  }
__scs_overlays_trampoline_lowered:
0x8: {  	[smem:$0x3FAB] =	sst s0  }
0x9: {  	[smem:$0x3FAC] =	sst s1  }
0xa: {  	[smem:$0x3FAD] =	sst s2  }
0xb: {  	[smem:$0x3FAE] =	sst s3  }
0xc: {  	[smem:$0x3FAF] =	sst s4  }
0xd: {  	[smem:$0x3FB0] =	sst s5  }
0xe: {  	[smem:$0x3FB1] =	sst s6  }
0xf: {  	[smem:$0x3FB2] =	sst s7  }
0x10: {  	[smem:$0x3FB3] =	sst s8  }
0x11: {  	[smem:$0x3FB4] =	sst s9;
	s0 =	simm.s32 @!p0 $0x0  }
0x12: {  	s1 =	sld [smem:$0x3F9A];
	s0 =	simm.s32 @p0 $0x1  }
0x13: {  	[smem:$0x3FB5] =	sst s0;
	s0 =	simm.s32 @!p1 $0x0  }
0x14: {  	s2 =	sld [smem:$0x3F99];
	s0 =	simm.s32 @p1 $0x1  }
0x15: {  	[smem:$0x3FB6] =	sst s0;
	s0 =	simm.s32 @!p2 $0x0  }
0x16: {  	s3 =	sld [smem:$0x3FDB];
	s0 =	simm.s32 @p2 $0x1  }
0x17: {  	s4 =	simm.s32 $0x1BF5;
	[smem:$0x3FB8] =	sst s0  }
0x18: {  	s0 =	sld [smem:$0x3F9B];
	_ =	swait.ge [sflag:s4], $0x0  }
0x19: {  	s7 =	sld [smem:$0x3F9C]  }
0x1a: {  	s8 =	sadd.s32 $0xFFFFE003, lr  }
0x1b: {  	s9 =	sadd.s32 $0xFFFFFEF7, lr;
	s5 =	simm.s32 $0xFFFFFFFF;
	p2 =	slt.u32 s8, $0xFFFFF086  }
0x1c: {  	p1 =	slt.u32 s9, $0xF7A;
	s5 =	simm.s32 @!p2 $0x0  }
0x1d: {  	s5 =	simm.s32 @p1 $0x1;
	p0 =	seq.s32 s7, s2  }
0x1e: {  	s7 =	smul.u32 @!p0 $0xF7A, s2;
	p2 =	seq.s32 @!p0 s5, $0x0  }
0x1f: {  	s9 =	smul.u32 $0xF7A, s1;
	s8 =	simm.s32 @!p0 $0x1BF5;
	p2 =	por !p2, p0  }
0x20: {  	[sflag:s8] =	ssyncset.s32 @!p0 $0xFFFFF086;
	s6 =	sadd.s32 @!p0 s3, s7;
	s7 =	simm.s32 @!p0 $0x108  }
0x21: {  	s3 =	sadd.s32 s3, s9;
	s6 =	sadd.s32 @!p0 $0x88, s6;
	s7 =	simm.s32 @p2 $0x1082  }
0x22: {  	[simem:s7], [sflag:s8] =	dma.local @!p0 [hbm:s6], $0xF7A  }
0x23: {  	s9 =	sor.u32 $0xD0000000, s2;
	s6 =	simm.s32 $0x108;
	_ =	swait.ge @!p0 [sflag:s8], $0x0  }
0x24: {  	s3 =	sadd.s32 $0x88, s3;
	s6 =	simm.s32 @!p1 $0x1082;
	[sflag:s4] =	ssyncset.s32 $0xFFFFF086  }
0x25: {  	[simem:s6], [sflag:s4] =	dma.local [hbm:s3], $0xF7A  }
0x26: {  	[smem:$0x3F9C] =	sst s1;
	(tag) =	ssettag s2;
	_ =	strace s9  }
0x27: {  	s1 =	sld [smem:$0x3FAC]  }
0x28: {  	s2 =	sld [smem:$0x3FAD]  }
0x29: {  	s4 =	sld [smem:$0x3FAF]  }
0x2a: {  	p0 =	seq.s32 s5, $0x0;
	s5 =	sld [smem:$0x3FB0]  }
0x2b: {  	s6 =	sld [smem:$0x3FB1]  }
0x2c: {  	s7 =	sld [smem:$0x3FB2]  }
0x2d: {  	s3 =	simm.s32 $0x108;
	s8 =	sld [smem:$0x3FB3]  }
0x2e: {  	s3 =	simm.s32 @!p0 $0x1082;
	s9 =	sld [smem:$0x3FB4]  }
0x2f: {  	lr =	sadd.s32 s0, s3;
	s0 =	sld [smem:$0x3FAB]  }
0x30: {  	s3 =	sld [smem:$0x3FAE]  }
0x31: {  	[smem:$0x3FB7] =	sst s10  }
0x32: {  	s10 =	sld [smem:$0x3FB5];
	_ =	sdelay $0x3  }
0x33: {  	p0 =	seq.s32 s10, $0x1;
	s10 =	sld [smem:$0x3FB7];
	_ =	sdelay $0x3  }
0x34: {  	[smem:$0x3FB7] =	sst s10  }
0x35: {  	s10 =	sld [smem:$0x3FB6];
	_ =	sdelay $0x3  }
0x36: {  	p1 =	seq.s32 s10, $0x1;
	s10 =	sld [smem:$0x3FB7];
	_ =	sdelay $0x3  }
0x37: {  	[smem:$0x3FB7] =	sst s10  }
0x38: {  	s10 =	sld [smem:$0x3FB8]  }
0x39: {  	_ = 	snop;
	(pc) =	sbr.ind lr, $3  }
0x3a: {  	_ = 	snop  }
0x3b: {  	_ = 	snop  }
0x3c: {  	p2 =	seq.s32 s10, $0x1;
	s10 =	sld [smem:$0x3FB7]  }
0x3d: {  	_ =	shalt  }
0x3e: {  	_ =	shalt  }
0x3f: {  	_ =	shalt  }
0x40: {  	_ =	shalt  }
0x41: {  	_ =	shalt  }
0x42: {  	_ =	shalt  }
0x43: {  	_ =	shalt  }
0x44: {  	_ =	shalt  }
0x45: {  	_ =	shalt  }
0x46: {  	_ =	shalt  }
0x47: {  	_ =	shalt  }
0x48: {  	_ =	shalt  }
0x49: {  	_ =	shalt  }
0x4a: {  	_ =	shalt  }
0x4b: {  	_ =	shalt  }
0x4c: {  	_ =	shalt  }
0x4d: {  	_ =	shalt  }
0x4e: {  	_ =	shalt  }
0x4f: {  	_ =	shalt  }
0x50: {  	_ =	shalt  }
0x51: {  	_ =	shalt  }
0x52: {  	_ =	shalt  }
0x53: {  	_ =	shalt  }
0x54: {  	_ =	shalt  }
0x55: {  	_ =	shalt  }
0x56: {  	_ =	shalt  }
0x57: {  	_ =	shalt  }
0x58: {  	_ =	shalt  }
0x59: {  	_ =	shalt  }
0x5a: {  	_ =	shalt  }
0x5b: {  	_ =	shalt  }
0x5c: {  	_ =	shalt  }
0x5d: {  	_ =	shalt  }
0x5e: {  	_ =	shalt  }
0x5f: {  	_ =	shalt  }
0x60: {  	_ =	shalt  }
0x61: {  	_ =	shalt  }
0x62: {  	_ =	shalt  }
0x63: {  	_ =	shalt  }
0x64: {  	_ =	shalt  }
0x65: {  	_ =	shalt  }
0x66: {  	_ =	shalt  }
0x67: {  	_ =	shalt  }
0x68: {  	_ =	shalt  }
0x69: {  	_ =	shalt  }
0x6a: {  	_ =	shalt  }
0x6b: {  	_ =	shalt  }
0x6c: {  	_ =	shalt  }
0x6d: {  	_ =	shalt  }
0x6e: {  	_ =	shalt  }
0x6f: {  	_ =	shalt  }
0x70: {  	_ =	shalt  }
0x71: {  	_ =	shalt  }
0x72: {  	_ =	shalt  }
0x73: {  	_ =	shalt  }
0x74: {  	_ =	shalt  }
0x75: {  	_ =	shalt  }
0x76: {  	_ =	shalt  }
0x77: {  	_ =	shalt  }
0x78: {  	_ =	shalt  }
0x79: {  	_ =	shalt  }
0x7a: {  	_ =	shalt  }
0x7b: {  	_ =	shalt  }
0x7c: {  	_ =	shalt  }
0x7d: {  	_ =	shalt  }
0x7e: {  	_ =	shalt  }
0x7f: {  	_ =	shalt  }
0x80: {  	_ =	shalt  }
0x81: {  	_ =	shalt  }
0x82: {  	_ =	shalt  }
0x83: {  	_ =	shalt  }
0x84: {  	_ =	shalt  }
0x85: {  	_ =	shalt  }
0x86: {  	_ =	shalt  }
0x87: {  	_ =	shalt  }
.Lfunc_end0:
.L_simem_size_0:
called_computation_lowered:
.L_overlay_start_0:
0x88: {  	s2 =	sld [smem:$0x3FD9]  }
0x89: {  	s3 =	sld [smem:$0x3FFE];
	_ =	sdelay $0x1  }
0x8a: {  	s1 =	srdreg.scid  }
0x8b: {  	s0 =	sand.u32 $0x1, s1  }
0x8c: {  	s17 =	sshll.u32 s0, $0xA;
	s2 =	sadd.s32 s3, s2  }
0x8d: {  	s2 =	sadd.s32 s2, s17  }
0x8e: {  	[smem:$0x3FC3] =	sst s2  }
0x8f: {  	_ = 	snop  }
0x90: {  	s2 =	sld [smem:$0x3FD0];
	(tm) =	ssettm $0x1  }
0x91: {  	s18 =	sld [smem:$0x3FFB];
	_ =	sdelay $0x3  }
0x92: {  	_ =	strace s18  }
0x93: {  	s3 =	sld [smem:$0x3FFC];
	_ =	sdelay $0x3  }
0x94: {  	_ =	strace s3  }
0x95: {  	s3 =	sld [smem:$0x3FFD];
	_ =	sdelay $0x3  }
0x96: {  	_ =	strace s3  }
0x97: {  	_ =	strace $0x8FFFFFFF  }
0x98: {  	s19 =	sld [smem:$0x3FDB];
	_ =	sdelay $0x1  }
0x99: {  	s4 =	simm.s32 $_scs_section_size  }
0x9a: {  	s5 =	simm.s32 $_size__tile_overlayer_lowered;
	s6 =	simm.s32 $_tile_overlayer_lowered  }
0x9b: {  	s22 =	simm.s32 $0x1BFF;
	s21 =	sshll.u32 s6, $0x1;
	s3 =	sadd.s32 s4, s19  }
0x9c: {  	s7 =	simm.s32 $0x0;
	s20 =	sshll.u32 s5, $0x1;
	s5 =	sadd.s32 s21, s3  }
0x9d: {  	[timem:s7], [sflag:s22] =	dma.local [hbm:s5], s20  }
0x9e: {  	_ =	swait.ge [sflag:s22], s20  }
0x9f: {  	s4 =	ssub.s32 $0x0, s20;
	[sflag:s22] =	ssyncset.done $0x0  }
0xa0: {  	[sflag:s22] =	ssyncadd.s32 s4;
	_ =	sdelay $0x1  }
0xa1: {  	s23 =	simm.s32 $0x1B8B  }
0xa2: {  	_ =	swait.ge [sflag:s23], $0x1  }
0xa3: {  	[sflag:s23] =	ssyncset.done $0x0  }
0xa4: {  	s25 =	simm.s32 $0x1B8E;
	s24 =	sld [smem:$0x3FFE];
	[sflag:s23] =	ssyncadd.s32 $0xFFFFFFFF  }
0xa5: {  	s26 =	simm.s32 $execute0_lowered;
	[smem:$0x3FD2] =	sst s25  }
0xa6: {  	s5 =	sshll.u32 s26, $0x1;
	_ =	strace $0x80000046;
	[dreg:$0x1] =	wrdreg $0xFFFFFFFF  }
0xa7: {  	s28 =	simm.s32 $_size_execute0_lowered;
	s3 =	sadd.s32 s3, s5;
	[dreg:$0x0] =	wrdreg $0x0  }
0xa8: {  	s5 =	sshll.u32 s28, $0x1;
	[dreg:$0x2] =	wrdreg s3  }
0xa9: {  	[dreg:$0x3] =	wrdreg s5  }
0xaa: {  	[dreg:$0x4] =	wrdreg $0xC0  }
0xab: {  	_ =	task [dreg:s7], $0x5FFFF  }
0xac: {  	[dreg:$0x1] =	wrdreg $0xFFFFFFFF  }
0xad: {  	[dreg:$0x0] =	wrdreg $0x60  }
0xae: {  	[dreg:$0x2] =	wrdreg s24  }
0xaf: {  	[dreg:$0x3] =	wrdreg s2  }
0xb0: {  	[dreg:$0x4] =	wrdreg $0x0  }
0xb1: {  	[dreg:$0x5] =	wrdreg $0x9  }
0xb2: {  	_ =	task.clear_ibuf [dreg:s7], $0x6FFFF;
	_ =	strace $0x90000046  }
0xb3: {  	s29 =	simm.s32 $0x9;
	_ =	strace $0x80000048  }
0xb4: {  	_ =	swait.ge [sflag:s29], $0x1  }
0xb5: {  	[sflag:s29] =	ssyncadd.s32 $0xFFFFFFFF  }
0xb6: {  	_ =	strace $0x90000048  }
0xb7: {  	_ =	sfence  }
0xb8: {  	s30 =	sld [smem:$0x0];
	_ =	sdelay $0x2  }
0xb9: {  	s31 =	sshll.u32 s1, $0xD;
	s1 =	sshrl.u32 s1, $0x2  }
0xba: {  	s3 =	sand.u32 $0x4000, s31;
	s1 =	sadd.s32 s1, s30  }
0xbb: {  	s0 =	sor.u32 s3, s0;
	s1 =	sshll.u32 s1, $0x11  }
0xbc: {  	s0 =	sor.u32 s1, s0  }
0xbd: {  	s0 =	sadd.s32 $0x8F2B, s0  }
0xbe: {  	[sflag:s0] =	ssyncadd.remote.s32 $0x1  }
0xbf: {  	_ =	sfence.sel $0xFFFF  }
0xc0: {  	[dreg:$0x0] =	wrdreg $0xFFFFFFFF;
	(pc) =	sbr.abs _section_cstart, $3  }
0xc1: {  	[dreg:$0x1] =	wrdreg $0xFFFFFFFF  }
0xc2: {  	_ =	task.clear_ibuf [dreg:s7], $0x2FFFF;
	_ =	strace $0x9FFFFFFF  }
0xc3: {  	(tm) =	ssettm $0x7FFFFFFF  }
tec
execute0_lowered:
.L_overlay_start_1:
0x0: {  	(tag) =	ssettag $0x1  }
0x1: {  	s0 =	rddreg [dreg:$0x0]  }
0x2: {  	s2 =	rddreg [dreg:$0x1]  }
0x3: {  	s31 =	rddreg [dreg:$0x2];
	s1 =	simm.s32 $0x0  }
0x4: {  	s4 =	srdreg.scid;
	s10 =	stileid.u32;
	s14 =	simm.s32 $0xE000  }
0x5: {  	s12 =	simm.s32 $0xE480;
	s11 =	simm.s32 $0xE600;
	s13 =	simm.s32 $0xE680  }
0x6: {  	s15 =	simm.s32 $0xE700;
	s16 =	simm.s32 $0xE380;
	s17 =	simm.s32 $0xE780  }
0x7: {  	s3 =	simm.s32 $0x0;
	[smem:$0x7FF] =	sst s1;
	s4 =	sand.u32 $0x1, s4  }
0x8: {  	s5 =	sshll.u32 s10, $0x1;
	s6 =	smul.u32 $0xA000, s10;
	s21 =	sshll.u32 s10, $0x6  }
0x9: {  	s23 =	sshll.u32 s10, $0xA;
	s10 =	simm.s32 $0xE300;
	s1 =	simm.s32 $0xED00  }
0xa: {  	_ =	strace $0x80000047;
	s5 =	sor.u32 s4, s5;
	s9 =	ssub.s32 $0x2, s4  }
0xb: {  	s26 =	sshll.u32 s4, $0x9;
	s4 =	simm.s32 $0xE100;
	s7 =	sshll.u32 s5, $0xB  }
0xc: {  	s8 =	sshrl.u32 s6, $0x3;
	s18 =	sshrl.u32 s9, $0x1;
	s19 =	sshll.u32 s5, $0x9  }
0xd: {  	s25 =	smul.u32 $0x5000, s5;
	s20 =	sadd.s32 s6, s31;
	s5 =	simm.s32 $0xE500  }
0xe: {  	s6 =	simm.s32 $0xE180;
	s7 =	sadd.s32 s7, s0;
	s0 =	sadd.s32 s8, s0  }
0xf: {  	s8 =	ssub.s32 s9, s18;
	s24 =	sadd.s32 s2, s19;
	s30 =	sshrl.u32 s20, $0x3  }
0x10: {  	s9 =	simm.s32 $0xE200;
	s20 =	simm.s32 $0xE800;
	[dreg:$0x7] =	wrdreg s24  }
0x11: {  	s19 =	simm.s32 $0xE980;
	s0 =	sadd.s32 $0xC00, s0;
	[dreg:$0xb] =	wrdreg s30  }
0x12: {  	s18 =	simm.s32 $0x4;
	s22 =	sadd.s32 $0x14C00, s7;
	[dreg:$0x4] =	wrdreg s0  }
0x13: {  	v0 =	vlaneseq.u32;
	s28 =	sadd.s32 $0x4000, s24;
	s29 =	smax.u32 s8, $0x1;
	[dreg:$0x6] =	wrdreg s22  }
0x14: {  	v0 =	vmul.u32 $0x100, v0;
	s8 =	simm.s32 $0xE580;
	s7 =	simm.s32 $0xE280;
	[dreg:$0x8] =	wrdreg s28  }
0x15: {  	s24 =	simm.s32 $0xE900;
	s0 =	sor.u32 $0x1C01, s21;
	[dreg:$0x9] =	wrdreg s29  }
0x16: {  	v0 =	vor.u32 s25, v0;
	s25 =	simm.s32 $0x2;
	[dreg:$0x5] =	wrdreg s0;
	s0 =	sadd.s32 s23, s2  }
0x17: {  	s21 =	simm.s32 $0xEC00;
	s22 =	simm.s32 $0xE880;
	s0 =	sadd.s32 s26, s0  }
0x18: {  	s2 =	simm.s32 $0xE080;
	s23 =	simm.s32 $0xEC80;
	s0 =	sadd.s32 $0x8000, s0  }
0x19: {  	s26 =	simm.s32 $0x3;
	[dreg:$0xa] =	wrdreg s0;
	s0 =	simm.s32 $0xE400  }
.LBB2_1:
0x1a: {  	[dreg:$0xc] =	wrdreg s3  }
0x1b: {  	s28 =	rddreg [dreg:$0x4]  }
0x1c: {  	s29 =	rddreg [dreg:$0x5]  }
0x1d: {  	s30 =	rddreg [dreg:$0xb]  }
0x1e: {  	[spmem:s30], [sflag:s29] =	dma.local [hbm:s28], $0x1400  }
0x1f: {  	s3 =	simm.s32 $0x0;
	s29 =	simm.s32 $0xA000;
	s28 =	rddreg [dreg:$0x6]  }
0x20: {  	[tilespmem:s29], [sflag:$0x1] =	stream.linear.gather [hbm4b:s28+s3], $0x4000, $0x38;
	[tilespmem:$0x10000] =	vst v63  }
0x21: {  	s28 =	simm.s32 $0x1  }
0x22: {  	_ =	swait.ge [sflag:s28], $0x1400  }
0x23: {  	[sflag:s28] =	ssyncset.done $0x0  }
0x24: {  	[sflag:s28] =	ssyncadd.s32 $0xFFFFEC00  }
0x25: {  	_ =	swait.ge [sflag:s28], $0x4000  }
0x26: {  	[sflag:s28] =	ssyncset.done $0x0  }
0x27: {  	[sflag:s28] =	ssyncadd.s32 $0xFFFFC000  }
0x28: {  	[bflag:$0x0] =	sbarrier.arrive $0xFFFF  }
0x29: {  	v1 =	vld [tilespmem:$0xA000];
	_ =	sdelay $0x4  }
0x2a: {  	v1 =	vshll.u32 v1, $0xC  }
0x2b: {  	v1 =	vadd.s32 v1, v0  }
0x2c: {  	v1 =	vadd.s32 s31, v1  }
0x2d: {  	(v2sf) =	vpush v1, $0x1  }
0x2e: {  	(v2sf) =	vpush v1, $0x0;
	_ =	sdelay $0x7  }
0x2f: {  	(v2sf) =	vpush v1, $0x3  }
0x30: {  	(v2sf) =	vpush v1, $0x2;
	_ =	sdelay $0x4  }
0x31: {  	s28 =	spop (v2sf)  }
0x32: {  	s29 =	spop (v2sf)  }
0x33: {  	[tilespmem:s14], [sflag:$0x4] =	stream.linear.gather [spmem:s29], $0x80, $0x38;
	[tilespmem:$0x10000] =	vst v63  }
0x34: {  	(v2sf) =	vpush v1, $0x5;
	s29 =	sadd.s32 $0x80, s29  }
0x35: {  	(v2sf) =	vpush v1, $0x4;
	[tilespmem:s0], [sflag:$0x4] =	stream.linear.gather [spmem:s29], $0x80, $0x38;
	[tilespmem:$0x10000] =	vst v63  }
0x36: {  	_ = 	snop  }
0x37: {  	[tilespmem:s2], [sflag:$0x4] =	stream.linear.gather [spmem:s28], $0x80, $0x38;
	[tilespmem:$0x10000] =	vst v63  }
0x38: {  	s28 =	sadd.s32 $0x80, s28  }
0x39: {  	[tilespmem:s12], [sflag:$0x4] =	stream.linear.gather [spmem:s28], $0x80, $0x38;
	[tilespmem:$0x10000] =	vst v63  }
0x3a: {  	s28 =	spop (v2sf)  }
0x3b: {  	s29 =	spop (v2sf)  }
0x3c: {  	[tilespmem:s4], [sflag:$0x4] =	stream.linear.gather [spmem:s29], $0x80, $0x38;
	[tilespmem:$0x10000] =	vst v63  }
0x3d: {  	(v2sf) =	vpush v1, $0x7;
	s29 =	sadd.s32 $0x80, s29  }
0x3e: {  	(v2sf) =	vpush v1, $0x6;
	[tilespmem:s5], [sflag:$0x4] =	stream.linear.gather [spmem:s29], $0x80, $0x38;
	[tilespmem:$0x10000] =	vst v63  }
0x3f: {  	_ = 	snop  }
0x40: {  	[tilespmem:s6], [sflag:$0x4] =	stream.linear.gather [spmem:s28], $0x80, $0x38;
	[tilespmem:$0x10000] =	vst v63  }
0x41: {  	s28 =	sadd.s32 $0x80, s28  }
0x42: {  	[tilespmem:s8], [sflag:$0x4] =	stream.linear.gather [spmem:s28], $0x80, $0x38;
	[tilespmem:$0x10000] =	vst v63  }
0x43: {  	s28 =	spop (v2sf)  }
0x44: {  	s29 =	spop (v2sf)  }
0x45: {  	[tilespmem:s9], [sflag:$0x4] =	stream.linear.gather [spmem:s29], $0x80, $0x38;
	[tilespmem:$0x10000] =	vst v63  }
0x46: {  	(v2sf) =	vpush v1, $0x9;
	s29 =	sadd.s32 $0x80, s29  }
0x47: {  	(v2sf) =	vpush v1, $0x8;
	[tilespmem:s11], [sflag:$0x4] =	stream.linear.gather [spmem:s29], $0x80, $0x38;
	[tilespmem:$0x10000] =	vst v63  }
0x48: {  	_ = 	snop  }
0x49: {  	[tilespmem:s7], [sflag:$0x4] =	stream.linear.gather [spmem:s28], $0x80, $0x38;
	[tilespmem:$0x10000] =	vst v63  }
0x4a: {  	s28 =	sadd.s32 $0x80, s28  }
0x4b: {  	[tilespmem:s13], [sflag:$0x4] =	stream.linear.gather [spmem:s28], $0x80, $0x38;
	[tilespmem:$0x10000] =	vst v63  }
0x4c: {  	s28 =	spop (v2sf)  }
0x4d: {  	s29 =	spop (v2sf)  }
0x4e: {  	[tilespmem:s10], [sflag:$0x4] =	stream.linear.gather [spmem:s29], $0x80, $0x38;
	[tilespmem:$0x10000] =	vst v63  }
0x4f: {  	(v2sf) =	vpush v1, $0xB;
	s29 =	sadd.s32 $0x80, s29  }
0x50: {  	(v2sf) =	vpush v1, $0xA;
	[tilespmem:s15], [sflag:$0x4] =	stream.linear.gather [spmem:s29], $0x80, $0x38;
	[tilespmem:$0x10000] =	vst v63  }
0x51: {  	_ = 	snop  }
0x52: {  	[tilespmem:s16], [sflag:$0x4] =	stream.linear.gather [spmem:s28], $0x80, $0x38;
	[tilespmem:$0x10000] =	vst v63  }
0x53: {  	s28 =	sadd.s32 $0x80, s28  }
0x54: {  	[tilespmem:s17], [sflag:$0x4] =	stream.linear.gather [spmem:s28], $0x80, $0x38;
	[tilespmem:$0x10000] =	vst v63  }
0x55: {  	s28 =	spop (v2sf)  }
0x56: {  	s29 =	spop (v2sf)  }
0x57: {  	[tilespmem:s20], [sflag:$0x4] =	stream.linear.gather [spmem:s29], $0x80, $0x38;
	[tilespmem:$0x10000] =	vst v63  }
0x58: {  	(v2sf) =	vpush v1, $0xD;
	s29 =	sadd.s32 $0x80, s29  }
0x59: {  	(v2sf) =	vpush v1, $0xC;
	[tilespmem:s21], [sflag:$0x4] =	stream.linear.gather [spmem:s29], $0x80, $0x38;
	[tilespmem:$0x10000] =	vst v63  }
0x5a: {  	_ = 	snop  }
0x5b: {  	[tilespmem:s22], [sflag:$0x4] =	stream.linear.gather [spmem:s28], $0x80, $0x38;
	[tilespmem:$0x10000] =	vst v63  }
0x5c: {  	s28 =	sadd.s32 $0x80, s28  }
0x5d: {  	[tilespmem:s23], [sflag:$0x4] =	stream.linear.gather [spmem:s28], $0x80, $0x38;
	[tilespmem:$0x10000] =	vst v63  }
0x5e: {  	s28 =	spop (v2sf)  }
0x5f: {  	s29 =	spop (v2sf)  }
0x60: {  	[tilespmem:s24], [sflag:$0x4] =	stream.linear.gather [spmem:s29], $0x80, $0x38;
	[tilespmem:$0x10000] =	vst v63  }
0x61: {  	(v2sf) =	vpush v1, $0xF;
	s29 =	sadd.s32 $0x80, s29  }
0x62: {  	(v2sf) =	vpush v1, $0xE;
	[tilespmem:s1], [sflag:$0x4] =	stream.linear.gather [spmem:s29], $0x80, $0x38;
	[tilespmem:$0x10000] =	vst v63  }
0x63: {  	_ = 	snop  }
0x64: {  	[tilespmem:s19], [sflag:$0x4] =	stream.linear.gather [spmem:s28], $0x80, $0x38;
	[tilespmem:$0x10000] =	vst v63  }
0x65: {  	s29 =	simm.s32 $0xED80;
	s28 =	sadd.s32 $0x80, s28  }
0x66: {  	[tilespmem:s29], [sflag:$0x4] =	stream.linear.gather [spmem:s28], $0x80, $0x38;
	[tilespmem:$0x10000] =	vst v63  }
0x67: {  	s28 =	spop (v2sf)  }
0x68: {  	s30 =	simm.s32 $0xEA00;
	s29 =	spop (v2sf)  }
0x69: {  	[tilespmem:s30], [sflag:$0x4] =	stream.linear.gather [spmem:s29], $0x80, $0x38;
	[tilespmem:$0x10000] =	vst v63  }
0x6a: {  	s29 =	sadd.s32 $0x80, s29;
	s30 =	simm.s32 $0xEE00  }
0x6b: {  	[tilespmem:s30], [sflag:$0x4] =	stream.linear.gather [spmem:s29], $0x80, $0x38;
	[tilespmem:$0x10000] =	vst v63  }
0x6c: {  	s29 =	simm.s32 $0xEA80  }
0x6d: {  	[tilespmem:s29], [sflag:$0x4] =	stream.linear.gather [spmem:s28], $0x80, $0x38;
	[tilespmem:$0x10000] =	vst v63  }
0x6e: {  	s28 =	sadd.s32 $0x80, s28;
	s29 =	simm.s32 $0xEE80  }
0x6f: {  	[tilespmem:s29], [sflag:$0x4] =	stream.linear.gather [spmem:s28], $0x80, $0x38;
	[tilespmem:$0x10000] =	vst v63  }
0x70: {  	s28 =	spop (v2sf)  }
0x71: {  	s30 =	simm.s32 $0xEB00;
	s29 =	spop (v2sf)  }
0x72: {  	[tilespmem:s30], [sflag:$0x4] =	stream.linear.gather [spmem:s29], $0x80, $0x38;
	[tilespmem:$0x10000] =	vst v63  }
0x73: {  	s29 =	sadd.s32 $0x80, s29;
	s30 =	simm.s32 $0xEF00  }
0x74: {  	[tilespmem:s30], [sflag:$0x4] =	stream.linear.gather [spmem:s29], $0x80, $0x38;
	[tilespmem:$0x10000] =	vst v63  }
0x75: {  	s29 =	simm.s32 $0xEB80  }
0x76: {  	[tilespmem:s29], [sflag:$0x4] =	stream.linear.gather [spmem:s28], $0x80, $0x38;
	[tilespmem:$0x10000] =	vst v63  }
0x77: {  	s28 =	sadd.s32 $0x80, s28;
	s29 =	simm.s32 $0xEF80  }
0x78: {  	[tilespmem:s29], [sflag:$0x4] =	stream.linear.gather [spmem:s28], $0x80, $0x38;
	[tilespmem:$0x10000] =	vst v63  }
0x79: {  	_ =	swait.ge [sflag:s18], $0x1000  }
0x7a: {  	[sflag:s18] =	ssyncset.done $0x0  }
0x7b: {  	s3 =	simm.s32 $0x0;
	s28 =	rddreg [dreg:$0x7];
	[sflag:s18] =	ssyncadd.s32 $0xFFFFF000  }
0x7c: {  	[hbm4b:s28+s3] =	stream.linear.scatter [tilespmem:s14], [sflag:$0x2], $0x1000, $0x38;
	[tilespmem:$0x10000] =	vst v63  }
0x7d: {  	v1 =	vld [tilespmem:$0xA010];
	_ =	sdelay $0x4  }
0x7e: {  	v1 =	vshll.u32 v1, $0xC  }
0x7f: {  	v1 =	vadd.s32 v1, v0  }
0x80: {  	v1 =	vadd.s32 s31, v1  }
0x81: {  	(v2sf) =	vpush v1, $0x1  }
0x82: {  	(v2sf) =	vpush v1, $0x0;
	_ =	sdelay $0x7  }
0x83: {  	(v2sf) =	vpush v1, $0x3  }
0x84: {  	(v2sf) =	vpush v1, $0x2;
	_ =	sdelay $0x4  }
0x85: {  	s28 =	spop (v2sf)  }
0x86: {  	s30 =	simm.s32 $0xF000;
	s29 =	spop (v2sf)  }
0x87: {  	[tilespmem:s30], [sflag:$0x4] =	stream.linear.gather [spmem:s29], $0x80, $0x38;
	[tilespmem:$0x10000] =	vst v63  }
0x88: {  	s3 =	simm.s32 $0xF400;
	(v2sf) =	vpush v1, $0x5;
	s29 =	sadd.s32 $0x80, s29  }
0x89: {  	(v2sf) =	vpush v1, $0x4;
	[tilespmem:s3], [sflag:$0x4] =	stream.linear.gather [spmem:s29], $0x80, $0x38;
	[tilespmem:$0x10000] =	vst v63  }
0x8a: {  	s3 =	simm.s32 $0xF080  }
0x8b: {  	[tilespmem:s3], [sflag:$0x4] =	stream.linear.gather [spmem:s28], $0x80, $0x38;
	[tilespmem:$0x10000] =	vst v63  }
0x8c: {  	s29 =	simm.s32 $0xF480;
	s28 =	sadd.s32 $0x80, s28  }
0x8d: {  	[tilespmem:s29], [sflag:$0x4] =	stream.linear.gather [spmem:s28], $0x80, $0x38;
	[tilespmem:$0x10000] =	vst v63  }
0x8e: {  	s28 =	spop (v2sf)  }
0x8f: {  	s3 =	simm.s32 $0xF100;
	s29 =	spop (v2sf)  }
0x90: {  	[tilespmem:s3], [sflag:$0x4] =	stream.linear.gather [spmem:s29], $0x80, $0x38;
	[tilespmem:$0x10000] =	vst v63  }
0x91: {  	(v2sf) =	vpush v1, $0x7;
	s29 =	sadd.s32 $0x80, s29;
	s3 =	simm.s32 $0xF500  }
0x92: {  	(v2sf) =	vpush v1, $0x6;
	[tilespmem:s3], [sflag:$0x4] =	stream.linear.gather [spmem:s29], $0x80, $0x38;
	[tilespmem:$0x10000] =	vst v63  }
0x93: {  	s29 =	simm.s32 $0xF180  }
0x94: {  	[tilespmem:s29], [sflag:$0x4] =	stream.linear.gather [spmem:s28], $0x80, $0x38;
	[tilespmem:$0x10000] =	vst v63  }
0x95: {  	s28 =	sadd.s32 $0x80, s28;
	s29 =	simm.s32 $0xF580  }
0x96: {  	[tilespmem:s29], [sflag:$0x4] =	stream.linear.gather [spmem:s28], $0x80, $0x38;
	[tilespmem:$0x10000] =	vst v63  }
0x97: {  	s28 =	spop (v2sf)  }
0x98: {  	s3 =	simm.s32 $0xF200;
	s29 =	spop (v2sf)  }
0x99: {  	[tilespmem:s3], [sflag:$0x4] =	stream.linear.gather [spmem:s29], $0x80, $0x38;
	[tilespmem:$0x10000] =	vst v63  }
0x9a: {  	(v2sf) =	vpush v1, $0x9;
	s29 =	sadd.s32 $0x80, s29;
	s3 =	simm.s32 $0xF600  }
0x9b: {  	(v2sf) =	vpush v1, $0x8;
	[tilespmem:s3], [sflag:$0x4] =	stream.linear.gather [spmem:s29], $0x80, $0x38;
	[tilespmem:$0x10000] =	vst v63  }
0x9c: {  	s29 =	simm.s32 $0xF280  }
0x9d: {  	[tilespmem:s29], [sflag:$0x4] =	stream.linear.gather [spmem:s28], $0x80, $0x38;
	[tilespmem:$0x10000] =	vst v63  }
0x9e: {  	s28 =	sadd.s32 $0x80, s28;
	s29 =	simm.s32 $0xF680  }
0x9f: {  	[tilespmem:s29], [sflag:$0x4] =	stream.linear.gather [spmem:s28], $0x80, $0x38;
	[tilespmem:$0x10000] =	vst v63  }
0xa0: {  	s28 =	spop (v2sf)  }
0xa1: {  	s3 =	simm.s32 $0xF300;
	s29 =	spop (v2sf)  }
0xa2: {  	[tilespmem:s3], [sflag:$0x4] =	stream.linear.gather [spmem:s29], $0x80, $0x38;
	[tilespmem:$0x10000] =	vst v63  }
0xa3: {  	(v2sf) =	vpush v1, $0xB;
	s29 =	sadd.s32 $0x80, s29;
	s3 =	simm.s32 $0xF700  }
0xa4: {  	(v2sf) =	vpush v1, $0xA;
	[tilespmem:s3], [sflag:$0x4] =	stream.linear.gather [spmem:s29], $0x80, $0x38;
	[tilespmem:$0x10000] =	vst v63  }
0xa5: {  	s29 =	simm.s32 $0xF380  }
0xa6: {  	[tilespmem:s29], [sflag:$0x4] =	stream.linear.gather [spmem:s28], $0x80, $0x38;
	[tilespmem:$0x10000] =	vst v63  }
0xa7: {  	s28 =	sadd.s32 $0x80, s28;
	s29 =	simm.s32 $0xF780  }
0xa8: {  	[tilespmem:s29], [sflag:$0x4] =	stream.linear.gather [spmem:s28], $0x80, $0x38;
	[tilespmem:$0x10000] =	vst v63  }
0xa9: {  	s28 =	spop (v2sf)  }
0xaa: {  	s3 =	simm.s32 $0xF800;
	s29 =	spop (v2sf)  }
0xab: {  	[tilespmem:s3], [sflag:$0x4] =	stream.linear.gather [spmem:s29], $0x80, $0x38;
	[tilespmem:$0x10000] =	vst v63  }
0xac: {  	(v2sf) =	vpush v1, $0xD;
	s29 =	sadd.s32 $0x80, s29;
	s3 =	simm.s32 $0xFC00  }
0xad: {  	(v2sf) =	vpush v1, $0xC;
	[tilespmem:s3], [sflag:$0x4] =	stream.linear.gather [spmem:s29], $0x80, $0x38;
	[tilespmem:$0x10000] =	vst v63  }
0xae: {  	s29 =	simm.s32 $0xF880  }
0xaf: {  	[tilespmem:s29], [sflag:$0x4] =	stream.linear.gather [spmem:s28], $0x80, $0x38;
	[tilespmem:$0x10000] =	vst v63  }
0xb0: {  	s28 =	sadd.s32 $0x80, s28;
	s29 =	simm.s32 $0xFC80  }
0xb1: {  	[tilespmem:s29], [sflag:$0x4] =	stream.linear.gather [spmem:s28], $0x80, $0x38;
	[tilespmem:$0x10000] =	vst v63  }
0xb2: {  	s28 =	spop (v2sf)  }
0xb3: {  	s3 =	simm.s32 $0xF900;
	s29 =	spop (v2sf)  }
0xb4: {  	[tilespmem:s3], [sflag:$0x4] =	stream.linear.gather [spmem:s29], $0x80, $0x38;
	[tilespmem:$0x10000] =	vst v63  }
0xb5: {  	(v2sf) =	vpush v1, $0xF;
	s29 =	sadd.s32 $0x80, s29;
	s3 =	simm.s32 $0xFD00  }
0xb6: {  	(v2sf) =	vpush v1, $0xE;
	[tilespmem:s3], [sflag:$0x4] =	stream.linear.gather [spmem:s29], $0x80, $0x38;
	[tilespmem:$0x10000] =	vst v63  }
0xb7: {  	s29 =	simm.s32 $0xF980  }
0xb8: {  	[tilespmem:s29], [sflag:$0x4] =	stream.linear.gather [spmem:s28], $0x80, $0x38;
	[tilespmem:$0x10000] =	vst v63  }
0xb9: {  	s28 =	sadd.s32 $0x80, s28;
	s29 =	simm.s32 $0xFD80  }
0xba: {  	[tilespmem:s29], [sflag:$0x4] =	stream.linear.gather [spmem:s28], $0x80, $0x38;
	[tilespmem:$0x10000] =	vst v63  }
0xbb: {  	s28 =	spop (v2sf)  }
0xbc: {  	s3 =	simm.s32 $0xFA00;
	s29 =	spop (v2sf)  }
0xbd: {  	[tilespmem:s3], [sflag:$0x4] =	stream.linear.gather [spmem:s29], $0x80, $0x38;
	[tilespmem:$0x10000] =	vst v63  }
0xbe: {  	s29 =	sadd.s32 $0x80, s29;
	s3 =	simm.s32 $0xFE00  }
0xbf: {  	[tilespmem:s3], [sflag:$0x4] =	stream.linear.gather [spmem:s29], $0x80, $0x38;
	[tilespmem:$0x10000] =	vst v63  }
0xc0: {  	s29 =	simm.s32 $0xFA80  }
0xc1: {  	[tilespmem:s29], [sflag:$0x4] =	stream.linear.gather [spmem:s28], $0x80, $0x38;
	[tilespmem:$0x10000] =	vst v63  }
0xc2: {  	s28 =	sadd.s32 $0x80, s28;
	s29 =	simm.s32 $0xFE80  }
0xc3: {  	[tilespmem:s29], [sflag:$0x4] =	stream.linear.gather [spmem:s28], $0x80, $0x38;
	[tilespmem:$0x10000] =	vst v63  }
0xc4: {  	s28 =	spop (v2sf)  }
0xc5: {  	s3 =	simm.s32 $0xFB00;
	s29 =	spop (v2sf)  }
0xc6: {  	[tilespmem:s3], [sflag:$0x4] =	stream.linear.gather [spmem:s29], $0x80, $0x38;
	[tilespmem:$0x10000] =	vst v63  }
0xc7: {  	s29 =	sadd.s32 $0x80, s29;
	s3 =	simm.s32 $0xFF00  }
0xc8: {  	[tilespmem:s3], [sflag:$0x4] =	stream.linear.gather [spmem:s29], $0x80, $0x38;
	[tilespmem:$0x10000] =	vst v63  }
0xc9: {  	s29 =	simm.s32 $0xFB80  }
0xca: {  	[tilespmem:s29], [sflag:$0x4] =	stream.linear.gather [spmem:s28], $0x80, $0x38;
	[tilespmem:$0x10000] =	vst v63  }
0xcb: {  	s28 =	sadd.s32 $0x80, s28;
	s29 =	simm.s32 $0xFF80  }
0xcc: {  	[tilespmem:s29], [sflag:$0x4] =	stream.linear.gather [spmem:s28], $0x80, $0x38;
	[tilespmem:$0x10000] =	vst v63  }
0xcd: {  	_ =	swait.ge [sflag:s18], $0x1000  }
0xce: {  	[sflag:s18] =	ssyncset.done $0x0  }
0xcf: {  	s3 =	simm.s32 $0x0;
	s28 =	rddreg [dreg:$0x8];
	[sflag:s18] =	ssyncadd.s32 $0xFFFFF000  }
0xd0: {  	[hbm4b:s28+s3] =	stream.linear.scatter [tilespmem:s30], [sflag:$0x3], $0x1000, $0x38;
	[tilespmem:$0x10000] =	vst v63  }
0xd1: {  	_ =	swait.ge [sflag:s25], $0x1000  }
0xd2: {  	[sflag:s25] =	ssyncset.done $0x0  }
0xd3: {  	s28 =	simm.s32 $0x0;
	[sflag:s25] =	ssyncadd.s32 $0xFFFFF000  }
0xd4: {  	v1 =	vld [tilespmem:s28+$0xA020];
	_ =	sdelay $0x4  }
0xd5: {  	v1 =	vshll.u32 v1, $0xC  }
0xd6: {  	v1 =	vadd.s32 v1, v0  }
0xd7: {  	v1 =	vadd.s32 s31, v1  }
0xd8: {  	(v2sf) =	vpush v1, $0x0;
	_ =	sdelay $0x3  }
0xd9: {  	(v2sf) =	vpush v1, $0x1;
	_ =	sdelay $0x3  }
0xda: {  	(v2sf) =	vpush v1, $0x2;
	_ =	sdelay $0x3  }
0xdb: {  	(v2sf) =	vpush v1, $0x3;
	_ =	sdelay $0x2  }
0xdc: {  	s29 =	spop (v2sf)  }
0xdd: {  	(v2sf) =	vpush v1, $0x4;
	[tilespmem:s14], [sflag:$0x4] =	stream.linear.gather [spmem:s29], $0x80, $0x38;
	[tilespmem:$0x10000] =	vst v63  }
0xde: {  	s29 =	sadd.s32 $0x80, s29  }
0xdf: {  	[tilespmem:s0], [sflag:$0x4] =	stream.linear.gather [spmem:s29], $0x80, $0x38;
	[tilespmem:$0x10000] =	vst v63  }
0xe0: {  	s29 =	spop (v2sf)  }
0xe1: {  	(v2sf) =	vpush v1, $0x5;
	[tilespmem:s2], [sflag:$0x4] =	stream.linear.gather [spmem:s29], $0x80, $0x38;
	[tilespmem:$0x10000] =	vst v63  }
0xe2: {  	s29 =	sadd.s32 $0x80, s29  }
0xe3: {  	[tilespmem:s12], [sflag:$0x4] =	stream.linear.gather [spmem:s29], $0x80, $0x38;
	[tilespmem:$0x10000] =	vst v63  }
0xe4: {  	s29 =	spop (v2sf)  }
0xe5: {  	(v2sf) =	vpush v1, $0x6;
	[tilespmem:s4], [sflag:$0x4] =	stream.linear.gather [spmem:s29], $0x80, $0x38;
	[tilespmem:$0x10000] =	vst v63  }
0xe6: {  	s29 =	sadd.s32 $0x80, s29  }
0xe7: {  	[tilespmem:s5], [sflag:$0x4] =	stream.linear.gather [spmem:s29], $0x80, $0x38;
	[tilespmem:$0x10000] =	vst v63  }
0xe8: {  	s29 =	spop (v2sf)  }
0xe9: {  	(v2sf) =	vpush v1, $0x7;
	[tilespmem:s6], [sflag:$0x4] =	stream.linear.gather [spmem:s29], $0x80, $0x38;
	[tilespmem:$0x10000] =	vst v63  }
0xea: {  	s29 =	sadd.s32 $0x80, s29  }
0xeb: {  	[tilespmem:s8], [sflag:$0x4] =	stream.linear.gather [spmem:s29], $0x80, $0x38;
	[tilespmem:$0x10000] =	vst v63  }
0xec: {  	s29 =	spop (v2sf)  }
0xed: {  	(v2sf) =	vpush v1, $0x8;
	[tilespmem:s9], [sflag:$0x4] =	stream.linear.gather [spmem:s29], $0x80, $0x38;
	[tilespmem:$0x10000] =	vst v63  }
0xee: {  	s29 =	sadd.s32 $0x80, s29  }
0xef: {  	[tilespmem:s11], [sflag:$0x4] =	stream.linear.gather [spmem:s29], $0x80, $0x38;
	[tilespmem:$0x10000] =	vst v63  }
0xf0: {  	s29 =	spop (v2sf)  }
0xf1: {  	(v2sf) =	vpush v1, $0x9;
	[tilespmem:s7], [sflag:$0x4] =	stream.linear.gather [spmem:s29], $0x80, $0x38;
	[tilespmem:$0x10000] =	vst v63  }
0xf2: {  	s29 =	sadd.s32 $0x80, s29  }
0xf3: {  	[tilespmem:s13], [sflag:$0x4] =	stream.linear.gather [spmem:s29], $0x80, $0x38;
	[tilespmem:$0x10000] =	vst v63  }
0xf4: {  	s29 =	spop (v2sf)  }
0xf5: {  	(v2sf) =	vpush v1, $0xA;
	[tilespmem:s10], [sflag:$0x4] =	stream.linear.gather [spmem:s29], $0x80, $0x38;
	[tilespmem:$0x10000] =	vst v63  }
0xf6: {  	s29 =	sadd.s32 $0x80, s29  }
0xf7: {  	[tilespmem:s15], [sflag:$0x4] =	stream.linear.gather [spmem:s29], $0x80, $0x38;
	[tilespmem:$0x10000] =	vst v63  }
0xf8: {  	s29 =	spop (v2sf)  }
0xf9: {  	(v2sf) =	vpush v1, $0xB;
	[tilespmem:s16], [sflag:$0x4] =	stream.linear.gather [spmem:s29], $0x80, $0x38;
	[tilespmem:$0x10000] =	vst v63  }
0xfa: {  	s29 =	sadd.s32 $0x80, s29  }
0xfb: {  	[tilespmem:s17], [sflag:$0x4] =	stream.linear.gather [spmem:s29], $0x80, $0x38;
	[tilespmem:$0x10000] =	vst v63  }
0xfc: {  	s29 =	spop (v2sf)  }
0xfd: {  	(v2sf) =	vpush v1, $0xC;
	[tilespmem:s20], [sflag:$0x4] =	stream.linear.gather [spmem:s29], $0x80, $0x38;
	[tilespmem:$0x10000] =	vst v63  }
0xfe: {  	s29 =	sadd.s32 $0x80, s29  }
0xff: {  	[tilespmem:s21], [sflag:$0x4] =	stream.linear.gather [spmem:s29], $0x80, $0x38;
	[tilespmem:$0x10000] =	vst v63  }
0x100: {  	s29 =	spop (v2sf)  }
0x101: {  	(v2sf) =	vpush v1, $0xD;
	[tilespmem:s22], [sflag:$0x4] =	stream.linear.gather [spmem:s29], $0x80, $0x38;
	[tilespmem:$0x10000] =	vst v63  }
0x102: {  	s29 =	sadd.s32 $0x80, s29  }
0x103: {  	[tilespmem:s23], [sflag:$0x4] =	stream.linear.gather [spmem:s29], $0x80, $0x38;
	[tilespmem:$0x10000] =	vst v63  }
0x104: {  	s29 =	spop (v2sf)  }
0x105: {  	(v2sf) =	vpush v1, $0xE;
	[tilespmem:s24], [sflag:$0x4] =	stream.linear.gather [spmem:s29], $0x80, $0x38;
	[tilespmem:$0x10000] =	vst v63  }
0x106: {  	s29 =	sadd.s32 $0x80, s29  }
0x107: {  	[tilespmem:s1], [sflag:$0x4] =	stream.linear.gather [spmem:s29], $0x80, $0x38;
	[tilespmem:$0x10000] =	vst v63  }
0x108: {  	s29 =	spop (v2sf)  }
0x109: {  	(v2sf) =	vpush v1, $0xF;
	[tilespmem:s19], [sflag:$0x4] =	stream.linear.gather [spmem:s29], $0x80, $0x38;
	[tilespmem:$0x10000] =	vst v63  }
0x10a: {  	s6 =	simm.s32 $0xED80;
	s29 =	sadd.s32 $0x80, s29  }
0x10b: {  	[tilespmem:s6], [sflag:$0x4] =	stream.linear.gather [spmem:s29], $0x80, $0x38;
	[tilespmem:$0x10000] =	vst v63  }
0x10c: {  	s7 =	simm.s32 $0xEA00;
	s29 =	spop (v2sf)  }
0x10d: {  	[tilespmem:s7], [sflag:$0x4] =	stream.linear.gather [spmem:s29], $0x80, $0x38;
	[tilespmem:$0x10000] =	vst v63  }
0x10e: {  	s8 =	simm.s32 $0xEE00;
	s29 =	sadd.s32 $0x80, s29  }
0x10f: {  	[tilespmem:s8], [sflag:$0x4] =	stream.linear.gather [spmem:s29], $0x80, $0x38;
	[tilespmem:$0x10000] =	vst v63  }
0x110: {  	s9 =	simm.s32 $0xEA80;
	s29 =	spop (v2sf)  }
0x111: {  	[tilespmem:s9], [sflag:$0x4] =	stream.linear.gather [spmem:s29], $0x80, $0x38;
	[tilespmem:$0x10000] =	vst v63  }
0x112: {  	s10 =	simm.s32 $0xEE80;
	s29 =	sadd.s32 $0x80, s29  }
0x113: {  	[tilespmem:s10], [sflag:$0x4] =	stream.linear.gather [spmem:s29], $0x80, $0x38;
	[tilespmem:$0x10000] =	vst v63  }
0x114: {  	s11 =	simm.s32 $0xEB00;
	s29 =	spop (v2sf)  }
0x115: {  	[tilespmem:s11], [sflag:$0x4] =	stream.linear.gather [spmem:s29], $0x80, $0x38;
	[tilespmem:$0x10000] =	vst v63  }
0x116: {  	s12 =	simm.s32 $0xEF00;
	s29 =	sadd.s32 $0x80, s29  }
0x117: {  	[tilespmem:s12], [sflag:$0x4] =	stream.linear.gather [spmem:s29], $0x80, $0x38;
	[tilespmem:$0x10000] =	vst v63  }
0x118: {  	s13 =	simm.s32 $0xEB80;
	s29 =	spop (v2sf)  }
0x119: {  	[tilespmem:s13], [sflag:$0x4] =	stream.linear.gather [spmem:s29], $0x80, $0x38;
	[tilespmem:$0x10000] =	vst v63  }
0x11a: {  	s15 =	simm.s32 $0xEF80;
	s29 =	sadd.s32 $0x80, s29  }
0x11b: {  	[tilespmem:s15], [sflag:$0x4] =	stream.linear.gather [spmem:s29], $0x80, $0x38;
	[tilespmem:$0x10000] =	vst v63  }
0x11c: {  	_ =	swait.ge [sflag:s18], $0x1000  }
0x11d: {  	[sflag:s18] =	ssyncset.done $0x0  }
0x11e: {  	s29 =	rddreg [dreg:$0xa];
	[sflag:s18] =	ssyncadd.s32 $0xFFFFF000  }
0x11f: {  	[hbm4b:s29+s3] =	stream.linear.scatter [tilespmem:s14], [sflag:$0x2], $0x1000, $0x38;
	[tilespmem:$0x10000] =	vst v63  }
0x120: {  	_ =	swait.ge [sflag:s26], $0x1000  }
0x121: {  	[sflag:s26] =	ssyncset.done $0x0  }
0x122: {  	[sflag:s26] =	ssyncadd.s32 $0xFFFFF000  }
0x123: {  	v1 =	vld [tilespmem:s28+$0xA030];
	_ =	sdelay $0x4  }
0x124: {  	v1 =	vshll.u32 v1, $0xC  }
0x125: {  	v1 =	vadd.s32 v1, v0  }
0x126: {  	v1 =	vadd.s32 s31, v1  }
0x127: {  	(v2sf) =	vpush v1, $0x0;
	_ =	sdelay $0x3  }
0x128: {  	(v2sf) =	vpush v1, $0x1;
	_ =	sdelay $0x3  }
0x129: {  	(v2sf) =	vpush v1, $0x2;
	_ =	sdelay $0x3  }
0x12a: {  	(v2sf) =	vpush v1, $0x3;
	_ =	sdelay $0x2  }
0x12b: {  	s28 =	spop (v2sf)  }
0x12c: {  	(v2sf) =	vpush v1, $0x4;
	[tilespmem:s30], [sflag:$0x4] =	stream.linear.gather [spmem:s28], $0x80, $0x38;
	[tilespmem:$0x10000] =	vst v63  }
0x12d: {  	s16 =	simm.s32 $0xF400;
	s28 =	sadd.s32 $0x80, s28  }
0x12e: {  	[tilespmem:s16], [sflag:$0x4] =	stream.linear.gather [spmem:s28], $0x80, $0x38;
	[tilespmem:$0x10000] =	vst v63  }
0x12f: {  	s17 =	simm.s32 $0xF080;
	s28 =	spop (v2sf)  }
0x130: {  	(v2sf) =	vpush v1, $0x5;
	[tilespmem:s17], [sflag:$0x4] =	stream.linear.gather [spmem:s28], $0x80, $0x38;
	[tilespmem:$0x10000] =	vst v63  }
0x131: {  	s19 =	simm.s32 $0xF480;
	s28 =	sadd.s32 $0x80, s28  }
0x132: {  	[tilespmem:s19], [sflag:$0x4] =	stream.linear.gather [spmem:s28], $0x80, $0x38;
	[tilespmem:$0x10000] =	vst v63  }
0x133: {  	s20 =	simm.s32 $0xF100;
	s28 =	spop (v2sf)  }
0x134: {  	(v2sf) =	vpush v1, $0x6;
	[tilespmem:s20], [sflag:$0x4] =	stream.linear.gather [spmem:s28], $0x80, $0x38;
	[tilespmem:$0x10000] =	vst v63  }
0x135: {  	s21 =	simm.s32 $0xF500;
	s28 =	sadd.s32 $0x80, s28  }
0x136: {  	[tilespmem:s21], [sflag:$0x4] =	stream.linear.gather [spmem:s28], $0x80, $0x38;
	[tilespmem:$0x10000] =	vst v63  }
0x137: {  	s22 =	simm.s32 $0xF180;
	s28 =	spop (v2sf)  }
0x138: {  	(v2sf) =	vpush v1, $0x7;
	[tilespmem:s22], [sflag:$0x4] =	stream.linear.gather [spmem:s28], $0x80, $0x38;
	[tilespmem:$0x10000] =	vst v63  }
0x139: {  	s23 =	simm.s32 $0xF580;
	s28 =	sadd.s32 $0x80, s28  }
0x13a: {  	[tilespmem:s23], [sflag:$0x4] =	stream.linear.gather [spmem:s28], $0x80, $0x38;
	[tilespmem:$0x10000] =	vst v63  }
0x13b: {  	s24 =	simm.s32 $0xF200;
	s28 =	spop (v2sf)  }
0x13c: {  	(v2sf) =	vpush v1, $0x8;
	[tilespmem:s24], [sflag:$0x4] =	stream.linear.gather [spmem:s28], $0x80, $0x38;
	[tilespmem:$0x10000] =	vst v63  }
0x13d: {  	s1 =	simm.s32 $0xF600;
	s28 =	sadd.s32 $0x80, s28  }
0x13e: {  	[tilespmem:s1], [sflag:$0x4] =	stream.linear.gather [spmem:s28], $0x80, $0x38;
	[tilespmem:$0x10000] =	vst v63  }
0x13f: {  	s2 =	simm.s32 $0xF280;
	s28 =	spop (v2sf)  }
0x140: {  	(v2sf) =	vpush v1, $0x9;
	[tilespmem:s2], [sflag:$0x4] =	stream.linear.gather [spmem:s28], $0x80, $0x38;
	[tilespmem:$0x10000] =	vst v63  }
0x141: {  	s3 =	simm.s32 $0xF680;
	s28 =	sadd.s32 $0x80, s28  }
0x142: {  	[tilespmem:s3], [sflag:$0x4] =	stream.linear.gather [spmem:s28], $0x80, $0x38;
	[tilespmem:$0x10000] =	vst v63  }
0x143: {  	s4 =	simm.s32 $0xF300;
	s28 =	spop (v2sf)  }
0x144: {  	(v2sf) =	vpush v1, $0xA;
	[tilespmem:s4], [sflag:$0x4] =	stream.linear.gather [spmem:s28], $0x80, $0x38;
	[tilespmem:$0x10000] =	vst v63  }
0x145: {  	s5 =	simm.s32 $0xF700;
	s28 =	sadd.s32 $0x80, s28  }
0x146: {  	[tilespmem:s5], [sflag:$0x4] =	stream.linear.gather [spmem:s28], $0x80, $0x38;
	[tilespmem:$0x10000] =	vst v63  }
0x147: {  	s6 =	simm.s32 $0xF380;
	s28 =	spop (v2sf)  }
0x148: {  	(v2sf) =	vpush v1, $0xB;
	[tilespmem:s6], [sflag:$0x4] =	stream.linear.gather [spmem:s28], $0x80, $0x38;
	[tilespmem:$0x10000] =	vst v63  }
0x149: {  	s7 =	simm.s32 $0xF780;
	s28 =	sadd.s32 $0x80, s28  }
0x14a: {  	[tilespmem:s7], [sflag:$0x4] =	stream.linear.gather [spmem:s28], $0x80, $0x38;
	[tilespmem:$0x10000] =	vst v63  }
0x14b: {  	s0 =	simm.s32 $0xE980;
	s8 =	simm.s32 $0xF800;
	s28 =	spop (v2sf)  }
0x14c: {  	(v2sf) =	vpush v1, $0xC;
	[tilespmem:s8], [sflag:$0x4] =	stream.linear.gather [spmem:s28], $0x80, $0x38;
	[tilespmem:$0x10000] =	vst v63  }
0x14d: {  	s9 =	simm.s32 $0xFC00;
	s10 =	simm.s32 $0xF880;
	s28 =	sadd.s32 $0x80, s28  }
0x14e: {  	[tilespmem:s9], [sflag:$0x4] =	stream.linear.gather [spmem:s28], $0x80, $0x38;
	[tilespmem:$0x10000] =	vst v63  }
0x14f: {  	s11 =	simm.s32 $0xFC80;
	s12 =	simm.s32 $0xF900;
	s28 =	spop (v2sf)  }
0x150: {  	(v2sf) =	vpush v1, $0xD;
	[tilespmem:s10], [sflag:$0x4] =	stream.linear.gather [spmem:s28], $0x80, $0x38;
	[tilespmem:$0x10000] =	vst v63  }
0x151: {  	s13 =	simm.s32 $0xFD00;
	s15 =	simm.s32 $0xFD80;
	s28 =	sadd.s32 $0x80, s28  }
0x152: {  	[tilespmem:s11], [sflag:$0x4] =	stream.linear.gather [spmem:s28], $0x80, $0x38;
	[tilespmem:$0x10000] =	vst v63  }
0x153: {  	s14 =	simm.s32 $0xF980;
	s30 =	sadd.s32 $0x4000, s29;
	s28 =	spop (v2sf)  }
0x154: {  	(v2sf) =	vpush v1, $0xE;
	[tilespmem:s12], [sflag:$0x4] =	stream.linear.gather [spmem:s28], $0x80, $0x38;
	[tilespmem:$0x10000] =	vst v63  }
0x155: {  	s29 =	sadd.s32 $0x8000, s29;
	s16 =	simm.s32 $0xFA00;
	s28 =	sadd.s32 $0x80, s28  }
0x156: {  	[tilespmem:s13], [sflag:$0x4] =	stream.linear.gather [spmem:s28], $0x80, $0x38;
	[tilespmem:$0x10000] =	vst v63  }
0x157: {  	s17 =	simm.s32 $0xFE00;
	s19 =	simm.s32 $0xFA80;
	s28 =	spop (v2sf)  }
0x158: {  	(v2sf) =	vpush v1, $0xF;
	[tilespmem:s14], [sflag:$0x4] =	stream.linear.gather [spmem:s28], $0x80, $0x38;
	[tilespmem:$0x10000] =	vst v63  }
0x159: {  	s20 =	simm.s32 $0xFE80;
	s21 =	simm.s32 $0xFB00;
	s28 =	sadd.s32 $0x80, s28  }
0x15a: {  	[tilespmem:s15], [sflag:$0x4] =	stream.linear.gather [spmem:s28], $0x80, $0x38;
	[tilespmem:$0x10000] =	vst v63  }
0x15b: {  	s22 =	simm.s32 $0xFF00;
	s23 =	simm.s32 $0xFB80;
	s28 =	spop (v2sf)  }
0x15c: {  	[tilespmem:s16], [sflag:$0x4] =	stream.linear.gather [spmem:s28], $0x80, $0x38;
	[tilespmem:$0x10000] =	vst v63  }
0x15d: {  	s24 =	simm.s32 $0xFF80;
	s1 =	simm.s32 $0xED00;
	s28 =	sadd.s32 $0x80, s28  }
0x15e: {  	[tilespmem:s17], [sflag:$0x4] =	stream.linear.gather [spmem:s28], $0x80, $0x38;
	[tilespmem:$0x10000] =	vst v63  }
0x15f: {  	s4 =	simm.s32 $0xE100;
	s5 =	simm.s32 $0xE500;
	s28 =	spop (v2sf)  }
0x160: {  	[tilespmem:s19], [sflag:$0x4] =	stream.linear.gather [spmem:s28], $0x80, $0x38;
	[tilespmem:$0x10000] =	vst v63  }
0x161: {  	s6 =	simm.s32 $0xE180;
	s7 =	simm.s32 $0xE280;
	s28 =	sadd.s32 $0x80, s28  }
0x162: {  	[tilespmem:s20], [sflag:$0x4] =	stream.linear.gather [spmem:s28], $0x80, $0x38;
	[tilespmem:$0x10000] =	vst v63  }
0x163: {  	s8 =	simm.s32 $0xE580;
	s9 =	simm.s32 $0xE200;
	s28 =	spop (v2sf)  }
0x164: {  	[tilespmem:s21], [sflag:$0x4] =	stream.linear.gather [spmem:s28], $0x80, $0x38;
	[tilespmem:$0x10000] =	vst v63  }
0x165: {  	s10 =	simm.s32 $0xE300;
	s11 =	simm.s32 $0xE600;
	s28 =	sadd.s32 $0x80, s28  }
0x166: {  	[tilespmem:s22], [sflag:$0x4] =	stream.linear.gather [spmem:s28], $0x80, $0x38;
	[tilespmem:$0x10000] =	vst v63  }
0x167: {  	s13 =	simm.s32 $0xE680;
	s15 =	simm.s32 $0xE700;
	s28 =	spop (v2sf)  }
0x168: {  	[tilespmem:s23], [sflag:$0x4] =	stream.linear.gather [spmem:s28], $0x80, $0x38;
	[tilespmem:$0x10000] =	vst v63  }
0x169: {  	s16 =	simm.s32 $0xE380;
	s17 =	simm.s32 $0xE780;
	s28 =	sadd.s32 $0x80, s28  }
0x16a: {  	[tilespmem:s24], [sflag:$0x4] =	stream.linear.gather [spmem:s28], $0x80, $0x38;
	[tilespmem:$0x10000] =	vst v63  }
0x16b: {  	s20 =	simm.s32 $0xE800;
	s21 =	simm.s32 $0xEC00;
	_ =	swait.ge [sflag:s18], $0x1000  }
0x16c: {  	s22 =	simm.s32 $0xE880;
	s23 =	simm.s32 $0xEC80;
	[sflag:s18] =	ssyncset.done $0x0  }
0x16d: {  	s28 =	simm.s32 $0x80;
	s24 =	simm.s32 $0xE900;
	[sflag:s18] =	ssyncadd.s32 $0xFFFFF000  }
.LBB2_2:
0x16e: {  	s14 =	simm.s32 $0x0;
	s2 =	simm.s32 $0xF000  }
0x16f: {  	[hbm4b:s30+s14] =	stream.linear.scatter [tilespmem:s2], [sflag:$0x3], $0x1000, $0x38;
	[tilespmem:$0x10000] =	vst v63  }
0x170: {  	s19 =	simm.s32 $0xE000;
	s30 =	smov.u32 s28  }
0x171: {  	p0 =	sne.s32 s28, $0xFF00;
	s28 =	sadd.s32 $0x80, s28;
	_ =	swait.ge [sflag:s25], $0x1000  }
0x172: {  	[sflag:s25] =	ssyncset.done $0x0  }
0x173: {  	s30 =	sshra.s32 s30, $0x2;
	[sflag:s25] =	ssyncadd.s32 $0xFFFFF000  }
0x174: {  	v1 =	vld [tilespmem:s30+$0xA020];
	_ =	sdelay $0x4  }
0x175: {  	v1 =	vshll.u32 v1, $0xC  }
0x176: {  	v1 =	vadd.s32 v1, v0  }
0x177: {  	v1 =	vadd.s32 s31, v1  }
0x178: {  	(v2sf) =	vpush v1, $0x0;
	_ =	sdelay $0x3  }
0x179: {  	(v2sf) =	vpush v1, $0x1;
	_ =	sdelay $0x3  }
0x17a: {  	(v2sf) =	vpush v1, $0x2;
	_ =	sdelay $0x3  }
0x17b: {  	(v2sf) =	vpush v1, $0x3;
	_ =	sdelay $0x2  }
0x17c: {  	s3 =	smov.u32 s31;
	s31 =	spop (v2sf)  }
0x17d: {  	[tilespmem:s19], [sflag:$0x4] =	stream.linear.gather [spmem:s31], $0x80, $0x38;
	(v2sf) =	vpush v1, $0x4;
	[tilespmem:$0x10000] =	vst v63  }
0x17e: {  	s12 =	simm.s32 $0xE400;
	s31 =	sadd.s32 $0x80, s31  }
0x17f: {  	[tilespmem:s12], [sflag:$0x4] =	stream.linear.gather [spmem:s31], $0x80, $0x38;
	[tilespmem:$0x10000] =	vst v63  }
0x180: {  	s12 =	simm.s32 $0xE080;
	s31 =	spop (v2sf)  }
0x181: {  	[tilespmem:s12], [sflag:$0x4] =	stream.linear.gather [spmem:s31], $0x80, $0x38;
	(v2sf) =	vpush v1, $0x5;
	[tilespmem:$0x10000] =	vst v63  }
0x182: {  	s31 =	sadd.s32 $0x80, s31;
	s12 =	simm.s32 $0xE480  }
0x183: {  	[tilespmem:s12], [sflag:$0x4] =	stream.linear.gather [spmem:s31], $0x80, $0x38;
	[tilespmem:$0x10000] =	vst v63  }
0x184: {  	s31 =	spop (v2sf)  }
0x185: {  	[tilespmem:s4], [sflag:$0x4] =	stream.linear.gather [spmem:s31], $0x80, $0x38;
	(v2sf) =	vpush v1, $0x6;
	[tilespmem:$0x10000] =	vst v63  }
0x186: {  	s31 =	sadd.s32 $0x80, s31  }
0x187: {  	[tilespmem:s5], [sflag:$0x4] =	stream.linear.gather [spmem:s31], $0x80, $0x38;
	[tilespmem:$0x10000] =	vst v63  }
0x188: {  	s31 =	spop (v2sf)  }
0x189: {  	[tilespmem:s6], [sflag:$0x4] =	stream.linear.gather [spmem:s31], $0x80, $0x38;
	(v2sf) =	vpush v1, $0x7;
	[tilespmem:$0x10000] =	vst v63  }
0x18a: {  	s31 =	sadd.s32 $0x80, s31  }
0x18b: {  	[tilespmem:s8], [sflag:$0x4] =	stream.linear.gather [spmem:s31], $0x80, $0x38;
	[tilespmem:$0x10000] =	vst v63  }
0x18c: {  	s31 =	spop (v2sf)  }
0x18d: {  	[tilespmem:s9], [sflag:$0x4] =	stream.linear.gather [spmem:s31], $0x80, $0x38;
	(v2sf) =	vpush v1, $0x8;
	[tilespmem:$0x10000] =	vst v63  }
0x18e: {  	s31 =	sadd.s32 $0x80, s31  }
0x18f: {  	[tilespmem:s11], [sflag:$0x4] =	stream.linear.gather [spmem:s31], $0x80, $0x38;
	[tilespmem:$0x10000] =	vst v63  }
0x190: {  	s31 =	spop (v2sf)  }
0x191: {  	[tilespmem:s7], [sflag:$0x4] =	stream.linear.gather [spmem:s31], $0x80, $0x38;
	(v2sf) =	vpush v1, $0x9;
	[tilespmem:$0x10000] =	vst v63  }
0x192: {  	s31 =	sadd.s32 $0x80, s31  }
0x193: {  	[tilespmem:s13], [sflag:$0x4] =	stream.linear.gather [spmem:s31], $0x80, $0x38;
	[tilespmem:$0x10000] =	vst v63  }
0x194: {  	s31 =	spop (v2sf)  }
0x195: {  	[tilespmem:s10], [sflag:$0x4] =	stream.linear.gather [spmem:s31], $0x80, $0x38;
	(v2sf) =	vpush v1, $0xA;
	[tilespmem:$0x10000] =	vst v63  }
0x196: {  	s31 =	sadd.s32 $0x80, s31  }
0x197: {  	[tilespmem:s15], [sflag:$0x4] =	stream.linear.gather [spmem:s31], $0x80, $0x38;
	[tilespmem:$0x10000] =	vst v63  }
0x198: {  	s31 =	spop (v2sf)  }
0x199: {  	[tilespmem:s16], [sflag:$0x4] =	stream.linear.gather [spmem:s31], $0x80, $0x38;
	(v2sf) =	vpush v1, $0xB;
	[tilespmem:$0x10000] =	vst v63  }
0x19a: {  	s31 =	sadd.s32 $0x80, s31  }
0x19b: {  	[tilespmem:s17], [sflag:$0x4] =	stream.linear.gather [spmem:s31], $0x80, $0x38;
	[tilespmem:$0x10000] =	vst v63  }
0x19c: {  	s31 =	spop (v2sf)  }
0x19d: {  	[tilespmem:s20], [sflag:$0x4] =	stream.linear.gather [spmem:s31], $0x80, $0x38;
	(v2sf) =	vpush v1, $0xC;
	[tilespmem:$0x10000] =	vst v63  }
0x19e: {  	s31 =	sadd.s32 $0x80, s31  }
0x19f: {  	[tilespmem:s21], [sflag:$0x4] =	stream.linear.gather [spmem:s31], $0x80, $0x38;
	[tilespmem:$0x10000] =	vst v63  }
0x1a0: {  	s31 =	spop (v2sf)  }
0x1a1: {  	[tilespmem:s22], [sflag:$0x4] =	stream.linear.gather [spmem:s31], $0x80, $0x38;
	(v2sf) =	vpush v1, $0xD;
	[tilespmem:$0x10000] =	vst v63  }
0x1a2: {  	s31 =	sadd.s32 $0x80, s31  }
0x1a3: {  	[tilespmem:s23], [sflag:$0x4] =	stream.linear.gather [spmem:s31], $0x80, $0x38;
	[tilespmem:$0x10000] =	vst v63  }
0x1a4: {  	s31 =	spop (v2sf)  }
0x1a5: {  	[tilespmem:s24], [sflag:$0x4] =	stream.linear.gather [spmem:s31], $0x80, $0x38;
	(v2sf) =	vpush v1, $0xE;
	[tilespmem:$0x10000] =	vst v63  }
0x1a6: {  	s31 =	sadd.s32 $0x80, s31  }
0x1a7: {  	[tilespmem:s1], [sflag:$0x4] =	stream.linear.gather [spmem:s31], $0x80, $0x38;
	[tilespmem:$0x10000] =	vst v63  }
0x1a8: {  	s31 =	spop (v2sf)  }
0x1a9: {  	[tilespmem:s0], [sflag:$0x4] =	stream.linear.gather [spmem:s31], $0x80, $0x38;
	(v2sf) =	vpush v1, $0xF;
	[tilespmem:$0x10000] =	vst v63  }
0x1aa: {  	s12 =	simm.s32 $0xED80;
	s31 =	sadd.s32 $0x80, s31  }
0x1ab: {  	[tilespmem:s12], [sflag:$0x4] =	stream.linear.gather [spmem:s31], $0x80, $0x38;
	[tilespmem:$0x10000] =	vst v63  }
0x1ac: {  	s12 =	simm.s32 $0xEA00;
	s31 =	spop (v2sf)  }
0x1ad: {  	[tilespmem:s12], [sflag:$0x4] =	stream.linear.gather [spmem:s31], $0x80, $0x38;
	[tilespmem:$0x10000] =	vst v63  }
0x1ae: {  	s31 =	sadd.s32 $0x80, s31;
	s12 =	simm.s32 $0xEE00  }
0x1af: {  	[tilespmem:s12], [sflag:$0x4] =	stream.linear.gather [spmem:s31], $0x80, $0x38;
	[tilespmem:$0x10000] =	vst v63  }
0x1b0: {  	s12 =	simm.s32 $0xEA80;
	s31 =	spop (v2sf)  }
0x1b1: {  	[tilespmem:s12], [sflag:$0x4] =	stream.linear.gather [spmem:s31], $0x80, $0x38;
	[tilespmem:$0x10000] =	vst v63  }
0x1b2: {  	s31 =	sadd.s32 $0x80, s31;
	s12 =	simm.s32 $0xEE80  }
0x1b3: {  	[tilespmem:s12], [sflag:$0x4] =	stream.linear.gather [spmem:s31], $0x80, $0x38;
	[tilespmem:$0x10000] =	vst v63  }
0x1b4: {  	s12 =	simm.s32 $0xEB00;
	s31 =	spop (v2sf)  }
0x1b5: {  	[tilespmem:s12], [sflag:$0x4] =	stream.linear.gather [spmem:s31], $0x80, $0x38;
	[tilespmem:$0x10000] =	vst v63  }
0x1b6: {  	s31 =	sadd.s32 $0x80, s31;
	s12 =	simm.s32 $0xEF00  }
0x1b7: {  	[tilespmem:s12], [sflag:$0x4] =	stream.linear.gather [spmem:s31], $0x80, $0x38;
	[tilespmem:$0x10000] =	vst v63  }
0x1b8: {  	s12 =	simm.s32 $0xEB80;
	s31 =	spop (v2sf)  }
0x1b9: {  	[tilespmem:s12], [sflag:$0x4] =	stream.linear.gather [spmem:s31], $0x80, $0x38;
	[tilespmem:$0x10000] =	vst v63  }
0x1ba: {  	s31 =	sadd.s32 $0x80, s31;
	s12 =	simm.s32 $0xEF80  }
0x1bb: {  	[tilespmem:s12], [sflag:$0x4] =	stream.linear.gather [spmem:s31], $0x80, $0x38;
	[tilespmem:$0x10000] =	vst v63  }
0x1bc: {  	s31 =	smov.u32 s3  }
0x1bd: {  	_ =	swait.ge [sflag:s18], $0x1000  }
0x1be: {  	[sflag:s18] =	ssyncset.done $0x0  }
0x1bf: {  	[sflag:s18] =	ssyncadd.s32 $0xFFFFF000  }
0x1c0: {  	[hbm4b:s29+s14] =	stream.linear.scatter [tilespmem:s19], [sflag:$0x2], $0x1000, $0x38;
	[tilespmem:$0x10000] =	vst v63  }
0x1c1: {  	s3 =	simm.s32 $0x0;
	s14 =	simm.s32 $0xE000  }
0x1c2: {  	_ =	swait.ge [sflag:s26], $0x1000  }
0x1c3: {  	[sflag:s26] =	ssyncset.done $0x0  }
0x1c4: {  	[sflag:s26] =	ssyncadd.s32 $0xFFFFF000  }
0x1c5: {  	v1 =	vld [tilespmem:s30+$0xA030];
	_ =	sdelay $0x4  }
0x1c6: {  	v1 =	vshll.u32 v1, $0xC  }
0x1c7: {  	v1 =	vadd.s32 v1, v0  }
0x1c8: {  	v1 =	vadd.s32 s31, v1  }
0x1c9: {  	(v2sf) =	vpush v1, $0x0;
	_ =	sdelay $0x3  }
0x1ca: {  	(v2sf) =	vpush v1, $0x1;
	_ =	sdelay $0x3  }
0x1cb: {  	(v2sf) =	vpush v1, $0x2;
	_ =	sdelay $0x3  }
0x1cc: {  	(v2sf) =	vpush v1, $0x3;
	_ =	sdelay $0x2  }
0x1cd: {  	s19 =	simm.s32 $0xF000;
	s30 =	spop (v2sf)  }
0x1ce: {  	[tilespmem:s2], [sflag:$0x4] =	stream.linear.gather [spmem:s30], $0x80, $0x38;
	(v2sf) =	vpush v1, $0x4;
	[tilespmem:$0x10000] =	vst v63  }
0x1cf: {  	s30 =	sadd.s32 $0x80, s30;
	s2 =	simm.s32 $0xF400  }
0x1d0: {  	[tilespmem:s2], [sflag:$0x4] =	stream.linear.gather [spmem:s30], $0x80, $0x38;
	[tilespmem:$0x10000] =	vst v63  }
0x1d1: {  	s2 =	simm.s32 $0xF080;
	s30 =	spop (v2sf)  }
0x1d2: {  	[tilespmem:s2], [sflag:$0x4] =	stream.linear.gather [spmem:s30], $0x80, $0x38;
	(v2sf) =	vpush v1, $0x5;
	[tilespmem:$0x10000] =	vst v63  }
0x1d3: {  	s30 =	sadd.s32 $0x80, s30;
	s2 =	simm.s32 $0xF480  }
0x1d4: {  	[tilespmem:s2], [sflag:$0x4] =	stream.linear.gather [spmem:s30], $0x80, $0x38;
	[tilespmem:$0x10000] =	vst v63  }
0x1d5: {  	s2 =	simm.s32 $0xF100;
	s30 =	spop (v2sf)  }
0x1d6: {  	[tilespmem:s2], [sflag:$0x4] =	stream.linear.gather [spmem:s30], $0x80, $0x38;
	(v2sf) =	vpush v1, $0x6;
	[tilespmem:$0x10000] =	vst v63  }
0x1d7: {  	s30 =	sadd.s32 $0x80, s30;
	s2 =	simm.s32 $0xF500  }
0x1d8: {  	[tilespmem:s2], [sflag:$0x4] =	stream.linear.gather [spmem:s30], $0x80, $0x38;
	[tilespmem:$0x10000] =	vst v63  }
0x1d9: {  	s2 =	simm.s32 $0xF180;
	s30 =	spop (v2sf)  }
0x1da: {  	[tilespmem:s2], [sflag:$0x4] =	stream.linear.gather [spmem:s30], $0x80, $0x38;
	(v2sf) =	vpush v1, $0x7;
	[tilespmem:$0x10000] =	vst v63  }
0x1db: {  	s30 =	sadd.s32 $0x80, s30;
	s2 =	simm.s32 $0xF580  }
0x1dc: {  	[tilespmem:s2], [sflag:$0x4] =	stream.linear.gather [spmem:s30], $0x80, $0x38;
	[tilespmem:$0x10000] =	vst v63  }
0x1dd: {  	s2 =	simm.s32 $0xF200;
	s30 =	spop (v2sf)  }
0x1de: {  	[tilespmem:s2], [sflag:$0x4] =	stream.linear.gather [spmem:s30], $0x80, $0x38;
	(v2sf) =	vpush v1, $0x8;
	[tilespmem:$0x10000] =	vst v63  }
0x1df: {  	s30 =	sadd.s32 $0x80, s30;
	s2 =	simm.s32 $0xF600  }
0x1e0: {  	[tilespmem:s2], [sflag:$0x4] =	stream.linear.gather [spmem:s30], $0x80, $0x38;
	[tilespmem:$0x10000] =	vst v63  }
0x1e1: {  	s2 =	simm.s32 $0xF280;
	s30 =	spop (v2sf)  }
0x1e2: {  	[tilespmem:s2], [sflag:$0x4] =	stream.linear.gather [spmem:s30], $0x80, $0x38;
	(v2sf) =	vpush v1, $0x9;
	[tilespmem:$0x10000] =	vst v63  }
0x1e3: {  	s30 =	sadd.s32 $0x80, s30;
	s2 =	simm.s32 $0xF680  }
0x1e4: {  	[tilespmem:s2], [sflag:$0x4] =	stream.linear.gather [spmem:s30], $0x80, $0x38;
	[tilespmem:$0x10000] =	vst v63  }
0x1e5: {  	s2 =	simm.s32 $0xF300;
	s30 =	spop (v2sf)  }
0x1e6: {  	[tilespmem:s2], [sflag:$0x4] =	stream.linear.gather [spmem:s30], $0x80, $0x38;
	(v2sf) =	vpush v1, $0xA;
	[tilespmem:$0x10000] =	vst v63  }
0x1e7: {  	s30 =	sadd.s32 $0x80, s30;
	s2 =	simm.s32 $0xF700  }
0x1e8: {  	[tilespmem:s2], [sflag:$0x4] =	stream.linear.gather [spmem:s30], $0x80, $0x38;
	[tilespmem:$0x10000] =	vst v63  }
0x1e9: {  	s2 =	simm.s32 $0xF380;
	s30 =	spop (v2sf)  }
0x1ea: {  	[tilespmem:s2], [sflag:$0x4] =	stream.linear.gather [spmem:s30], $0x80, $0x38;
	(v2sf) =	vpush v1, $0xB;
	[tilespmem:$0x10000] =	vst v63  }
0x1eb: {  	s30 =	sadd.s32 $0x80, s30;
	s2 =	simm.s32 $0xF780  }
0x1ec: {  	[tilespmem:s2], [sflag:$0x4] =	stream.linear.gather [spmem:s30], $0x80, $0x38;
	[tilespmem:$0x10000] =	vst v63  }
0x1ed: {  	s2 =	simm.s32 $0xF800;
	s30 =	spop (v2sf)  }
0x1ee: {  	[tilespmem:s2], [sflag:$0x4] =	stream.linear.gather [spmem:s30], $0x80, $0x38;
	(v2sf) =	vpush v1, $0xC;
	[tilespmem:$0x10000] =	vst v63  }
0x1ef: {  	s30 =	sadd.s32 $0x80, s30;
	s2 =	simm.s32 $0xFC00  }
0x1f0: {  	[tilespmem:s2], [sflag:$0x4] =	stream.linear.gather [spmem:s30], $0x80, $0x38;
	[tilespmem:$0x10000] =	vst v63  }
0x1f1: {  	s2 =	simm.s32 $0xF880;
	s30 =	spop (v2sf)  }
0x1f2: {  	[tilespmem:s2], [sflag:$0x4] =	stream.linear.gather [spmem:s30], $0x80, $0x38;
	(v2sf) =	vpush v1, $0xD;
	[tilespmem:$0x10000] =	vst v63  }
0x1f3: {  	s30 =	sadd.s32 $0x80, s30;
	s2 =	simm.s32 $0xFC80  }
0x1f4: {  	[tilespmem:s2], [sflag:$0x4] =	stream.linear.gather [spmem:s30], $0x80, $0x38;
	[tilespmem:$0x10000] =	vst v63  }
0x1f5: {  	s2 =	simm.s32 $0xF900;
	s30 =	spop (v2sf)  }
0x1f6: {  	[tilespmem:s2], [sflag:$0x4] =	stream.linear.gather [spmem:s30], $0x80, $0x38;
	(v2sf) =	vpush v1, $0xE;
	[tilespmem:$0x10000] =	vst v63  }
0x1f7: {  	s30 =	sadd.s32 $0x80, s30;
	s2 =	simm.s32 $0xFD00  }
0x1f8: {  	[tilespmem:s2], [sflag:$0x4] =	stream.linear.gather [spmem:s30], $0x80, $0x38;
	[tilespmem:$0x10000] =	vst v63  }
0x1f9: {  	s2 =	simm.s32 $0xF980;
	s30 =	spop (v2sf)  }
0x1fa: {  	[tilespmem:s2], [sflag:$0x4] =	stream.linear.gather [spmem:s30], $0x80, $0x38;
	(v2sf) =	vpush v1, $0xF;
	[tilespmem:$0x10000] =	vst v63  }
0x1fb: {  	s30 =	sadd.s32 $0x80, s30;
	s2 =	simm.s32 $0xFD80  }
0x1fc: {  	[tilespmem:s2], [sflag:$0x4] =	stream.linear.gather [spmem:s30], $0x80, $0x38;
	[tilespmem:$0x10000] =	vst v63  }
0x1fd: {  	s2 =	simm.s32 $0xFA00;
	s30 =	spop (v2sf)  }
0x1fe: {  	[tilespmem:s2], [sflag:$0x4] =	stream.linear.gather [spmem:s30], $0x80, $0x38;
	[tilespmem:$0x10000] =	vst v63  }
0x1ff: {  	s30 =	sadd.s32 $0x80, s30;
	s2 =	simm.s32 $0xFE00  }
0x200: {  	[tilespmem:s2], [sflag:$0x4] =	stream.linear.gather [spmem:s30], $0x80, $0x38;
	[tilespmem:$0x10000] =	vst v63  }
0x201: {  	s2 =	simm.s32 $0xFA80;
	s30 =	spop (v2sf)  }
0x202: {  	[tilespmem:s2], [sflag:$0x4] =	stream.linear.gather [spmem:s30], $0x80, $0x38;
	[tilespmem:$0x10000] =	vst v63  }
0x203: {  	s30 =	sadd.s32 $0x80, s30;
	s2 =	simm.s32 $0xFE80  }
0x204: {  	[tilespmem:s2], [sflag:$0x4] =	stream.linear.gather [spmem:s30], $0x80, $0x38;
	[tilespmem:$0x10000] =	vst v63  }
0x205: {  	s2 =	simm.s32 $0xFB00;
	s30 =	spop (v2sf)  }
0x206: {  	[tilespmem:s2], [sflag:$0x4] =	stream.linear.gather [spmem:s30], $0x80, $0x38;
	[tilespmem:$0x10000] =	vst v63  }
0x207: {  	s30 =	sadd.s32 $0x80, s30;
	s2 =	simm.s32 $0xFF00  }
0x208: {  	[tilespmem:s2], [sflag:$0x4] =	stream.linear.gather [spmem:s30], $0x80, $0x38;
	[tilespmem:$0x10000] =	vst v63  }
0x209: {  	s2 =	simm.s32 $0xFB80;
	s30 =	spop (v2sf)  }
0x20a: {  	[tilespmem:s2], [sflag:$0x4] =	stream.linear.gather [spmem:s30], $0x80, $0x38;
	[tilespmem:$0x10000] =	vst v63  }
.Ltmp0:
0x20b: {  	s30 =	sadd.s32 $0x80, s30;
	s2 =	simm.s32 $0xFF80;
	(pc) =	sbr.rel @p0 .LBB2_2-.Ltmp0, $4  }
0x20c: {  	[tilespmem:s2], [sflag:$0x4] =	stream.linear.gather [spmem:s30], $0x80, $0x38;
	[tilespmem:$0x10000] =	vst v63  }
0x20d: {  	_ =	swait.ge [sflag:s18], $0x1000  }
0x20e: {  	[sflag:s18] =	ssyncset.done $0x0  }
0x20f: {  	s30 =	sadd.s32 $0x4000, s29;
	s29 =	sadd.s32 $0x8000, s29;
	[sflag:s18] =	ssyncadd.s32 $0xFFFFF000  }
0x210: {  	[hbm4b:s30+s3] =	stream.linear.scatter [tilespmem:s19], [sflag:$0x3], $0x1000, $0x38;
	[tilespmem:$0x10000] =	vst v63  }
0x211: {  	_ =	swait.ge [sflag:s25], $0x1000  }
0x212: {  	s0 =	simm.s32 $0xE400;
	[sflag:s25] =	ssyncset.done $0x0  }
0x213: {  	s2 =	simm.s32 $0xE080;
	s12 =	simm.s32 $0xE480;
	[sflag:s25] =	ssyncadd.s32 $0xFFFFF000  }
0x214: {  	s4 =	simm.s32 $0xE100;
	s5 =	simm.s32 $0xE500;
	_ =	swait.ge [sflag:s26], $0x1000  }
0x215: {  	s6 =	simm.s32 $0xE180;
	s8 =	simm.s32 $0xE580;
	s30 =	rddreg [dreg:$0xc]  }
0x216: {  	s9 =	simm.s32 $0xE200;
	s28 =	rddreg [dreg:$0x9];
	s3 =	sadd.s32 $0x1, s30  }
0x217: {  	s11 =	simm.s32 $0xE600;
	s7 =	simm.s32 $0xE280;
	p0 =	sne.s32 s3, s28  }
.Ltmp1:
0x218: {  	s13 =	simm.s32 $0xE680;
	s10 =	simm.s32 $0xE300;
	(pc) =	sbr.rel @p0 .LBB2_1-.Ltmp1, $4  }
0x219: {  	s15 =	simm.s32 $0xE700;
	s16 =	simm.s32 $0xE380;
	s17 =	simm.s32 $0xE780  }
0x21a: {  	s20 =	simm.s32 $0xE800;
	s21 =	simm.s32 $0xEC00;
	s22 =	simm.s32 $0xE880  }
0x21b: {  	s23 =	simm.s32 $0xEC80;
	s24 =	simm.s32 $0xE900;
	[sflag:s26] =	ssyncset.done $0x0  }
0x21c: {  	s1 =	simm.s32 $0xED00;
	s19 =	simm.s32 $0xE980;
	[sflag:s26] =	ssyncadd.s32 $0xFFFFF000  }
0x21d: {  	_ =	sfence.sel $0x180000  }
0x21e: {  	[bflag:$0x0] =	sbarrier.arrive $0xFFFF  }
0x21f: {  	_ =	strace $0x90000047  }
0x220: {  	s0 =	stileid.u32;
	[bflag:$0x2] =	sbarrier.arrive $0xFFFF  }
0x221: {  	p0 =	sne.s32 s0, $0x0;
	s0 =	rddreg [dreg:$0x3]  }
0x222: {  	s0 =	sadd.s32 @!p0 $0x100000, s0  }
0x223: {  	[sflag:s0] =	ssyncadd.tile.s32 @!p0 $0x1;
	_ =	shalt  }
.Lfunc_end2:
_tile_overlayer_lowered:
.L_overlay_start_2:
0x224: {  	(tag) =	ssettag $0x2  }
0x225: {  	s0 =	rddreg [dreg:$0x0];
	s2 =	stileid.u32  }
0x226: {  	s1 =	rddreg [dreg:$0x1];
	p0 =	sne.s32 s2, $0x0  }
0x227: {  	s3 =	rddreg [dreg:$0x2];
	[bflag:$0x3] =	sbarrier.arrive $0xFFFF;
	s2 =	simm.s32 @!p0 $0x1C05  }
0x228: {  	[timem:s3], [sflag:s2] =	dma.local @!p0 [hbm:s0], s1  }
0x229: {  	s0 =	simm.s32 @!p0 $0x5  }
0x22a: {  	_ =	swait.ge @!p0 [sflag:s0], s1  }
0x22b: {  	s1 =	ssub.s32 @!p0 $0x0, s1;
	[sflag:s0] =	ssyncset.done @!p0 $0x0  }
0x22c: {  	[sflag:s0] =	ssyncadd.s32 @!p0 s1  }
0x22d: {  	[bflag:$0x3] =	sbarrier.arrive $0xFFFF  }
0x22e: {  	_ =	shalt  }

</sc_bundles>
